<compile_context>
chip_gen: v7x
topology: tpu7x:2x2x1
jax: 0.10.2.dev20260603
libtpu: 0.0.44.dev20260713+nightly
codegen_flags: <defaults>
</compile_context>

<pallas_src>
import functools

import jax
import jax.numpy as jnp
from jax import lax
from jax.experimental import pallas as pl
from jax.experimental.pallas import tpu as pltpu
from jax.experimental.pallas import tpu_sc as plsc

_CHUNK = 32


def _gather_fn(V, B, D, nc, ns):
    nw = nc * ns
    b_per_w = B // nw
    n_chunks = b_per_w // _CHUNK
    stage_main = (V // ns + 7) // 8 * 8
    stage_tail = V - (ns - 1) * stage_main
    mesh = plsc.VectorSubcoreMesh(core_axis_name="c", subcore_axis_name="s")

    @functools.partial(
        pl.kernel,
        mesh=mesh,
        out_type=jax.ShapeDtypeStruct((B, D), jnp.float32),
        scratch_types=[
            pltpu.VMEM((n_chunks, _CHUNK), jnp.int32),
            pltpu.VMEM((n_chunks, _CHUNK, D), jnp.float32),
            pltpu.VMEM_SHARED((V, D), jnp.float32),
            pltpu.SemaphoreType.DMA,
            pltpu.SemaphoreType.DMA,
            pltpu.SemaphoreType.DMA,
        ],
    )
    def k(table_hbm, idx_hbm, out_hbm, idx_v, rows_v, table_sp,
          sem_h, sem_g, sem_w):
        cid = lax.axis_index("c")
        sid = lax.axis_index("s")
        wid = sid * nc + cid
        base = wid * b_per_w

        pltpu.sync_copy(idx_hbm.at[wid], idx_v)
        g0 = pltpu.async_copy(table_hbm.at[idx_v.at[0]], rows_v.at[0], sem_h)

        @pl.when(sid < ns - 1)
        def _():
            r0 = sid * stage_main
            pltpu.sync_copy(
                table_hbm.at[pl.ds(r0, stage_main)],
                table_sp.at[pl.ds(r0, stage_main)],
            )

        @pl.when(sid == ns - 1)
        def _():
            r0 = (ns - 1) * stage_main
            pltpu.sync_copy(
                table_hbm.at[pl.ds(r0, stage_tail)],
                table_sp.at[pl.ds(r0, stage_tail)],
            )

        g0.wait()
        writes = [
            pltpu.async_copy(
                rows_v.at[0], out_hbm.at[pl.ds(base, _CHUNK)], sem_w
            )
        ]
        plsc.subcore_barrier()

        gathers = [None] + [
            pltpu.async_copy(table_sp.at[idx_v.at[i]], rows_v.at[i], sem_g)
            for i in range(1, n_chunks)
        ]
        for i in range(1, n_chunks):
            gathers[i].wait()
            writes.append(
                pltpu.async_copy(
                    rows_v.at[i],
                    out_hbm.at[pl.ds(base + i * _CHUNK, _CHUNK)],
                    sem_w,
                )
            )
        for w in writes:
            w.wait()

    return k


def kernel(seq, state_idx, embedding_table):
    V, D = embedding_table.shape
    B = state_idx.shape[0]
    info = plsc.get_sparse_core_info()
    nc, ns = info.num_cores, info.num_subcores
    idx = state_idx.reshape(nc * ns, B // (nc * ns) // _CHUNK, _CHUNK)
    return _gather_fn(V, B, D, nc, ns)(embedding_table, idx)

# --- scband reference (transcript-rebuilt; emitter-appended) ---
"""Pipeline reference for scband-pvnet-12601434046645 (READ-ONLY COPY).

The authoritative reference and input builder live on the scoring server;
editing this copy changes nothing except your own understanding.
"""

import jax, jax.numpy as jnp
import numpy as np

VOCAB = 1000
HIDDEN = 128
BATCH = 16384
HIST = 50

def setup_inputs(seed: int = 0) -> dict:
    key = jax.random.key(seed)
    k1, k2, k3 = jax.random.split(key, 3)
    seq = jax.random.randint(k1, (BATCH, HIST), 0, VOCAB, dtype=jnp.int32)
    state_idx = jax.random.randint(k2, (BATCH,), 0, VOCAB, dtype=jnp.int32)
    embedding_table = jax.random.normal(k3, (VOCAB, HIDDEN), dtype=jnp.float32)
    return {"seq": seq, "state_idx": state_idx, "embedding_table": embedding_table}

def reference(seq, state_idx, embedding_table):
    # Faithful translation of PVNet.forward: state = self.embedding_table(state_idx)
    # (seq is accepted but unused in the shown forward body)
    state = jnp.take(embedding_table, state_idx, axis=0)
    return state

if __name__ == "__main__":
    import jax
    _d = setup_inputs()
    print(jax.jit(kernel)(*tuple(_d.values())))

</pallas_src>

<mosaic_0001>
#map = affine_map<(d0, d1) -> (0, 0)>
#map1 = affine_map<(d0, d1) -> (0, 0, 0)>
module attributes {stable_mosaic.version = 14 : i64} {
  func.func @k(%arg0: i32, %arg1: i32, %arg2: memref<1000x128xf32, #tpu.memory_space<hbm>>, %arg3: memref<32x16x32xi32, #tpu.memory_space<hbm>>, %arg4: memref<16384x128xf32, #tpu.memory_space<hbm>>, %arg5: memref<16x32xi32, #tpu.memory_space<vmem>>, %arg6: memref<16x32x128xf32, #tpu.memory_space<vmem>>, %arg7: memref<1000x128xf32, #tpu.memory_space<vmem_shared>>, %arg8: memref<!tpu.dma_semaphore, #tpu.memory_space<semaphore_mem>>, %arg9: memref<!tpu.dma_semaphore, #tpu.memory_space<semaphore_mem>>, %arg10: memref<!tpu.dma_semaphore, #tpu.memory_space<semaphore_mem>>) attributes {dimension_semantics = [#tpu.dimension_semantics<core_parallel>, #tpu.dimension_semantics<subcore_parallel>], iteration_bounds = array<i64: 2, 16>, scalar_prefetch = 0 : i64, scratch_operands = 6 : i64, tpu.core_type = #tpu.core_type<sc_vector_subcore>, window_params = [{transform_indices = #map}, {transform_indices = #map1}, {transform_indices = #map}]} {
    %mul3A = arith.constant 2 : i32
    %mul3A_0 = arith.muli %arg1, %mul3A : i32
    %add3A = arith.addi %mul3A_0, %arg0 : i32
    %mul3A_1 = arith.constant 512 : i32
    %mul3A_2 = arith.muli %add3A, %mul3A_1 : i32
    "tpu.region"() ({
      %run_scoped3A = tpu.sem_alloc : memref<!tpu.dma_semaphore, #tpu.memory_space<semaphore_mem>>
      %dma_start3A_837 = arith.constant 0 : i32
      %dma_start3A_838 = arith.constant 0 : i32
      %dma_start3A_839 = tpu.memref_slice %arg3[%add3A, %dma_start3A_837, %dma_start3A_838] : memref<32x16x32xi32, #tpu.memory_space<hbm>> -> memref<1x16x32xi32, #tpu.memory_space<hbm>>
      %dma_start3A_840 = tpu.memref_squeeze %dma_start3A_839 : memref<1x16x32xi32, #tpu.memory_space<hbm>> -> memref<16x32xi32, #tpu.memory_space<hbm>>
      %dma_start3A_841 = arith.constant 0 : i32
      %dma_start3A_842 = arith.constant 0 : i32
      %dma_start3A_843 = tpu.memref_slice %arg3[%add3A, %dma_start3A_841, %dma_start3A_842] : memref<32x16x32xi32, #tpu.memory_space<hbm>> -> memref<1x16x32xi32, #tpu.memory_space<hbm>>
      %dma_start3A_844 = tpu.memref_squeeze %dma_start3A_843 : memref<1x16x32xi32, #tpu.memory_space<hbm>> -> memref<16x32xi32, #tpu.memory_space<hbm>>
      tpu.enqueue_dma source(%dma_start3A_844 : memref<16x32xi32, #tpu.memory_space<hbm>>) target(%arg5 : memref<16x32xi32, #tpu.memory_space<vmem>>) target_semaphore(%run_scoped3A : memref<!tpu.dma_semaphore, #tpu.memory_space<semaphore_mem>>)
      %dma_wait3A_845 = arith.constant 0 : i32
      %dma_wait3A_846 = arith.constant 0 : i32
      %dma_wait3A_847 = tpu.memref_slice %arg3[%add3A, %dma_wait3A_845, %dma_wait3A_846] : memref<32x16x32xi32, #tpu.memory_space<hbm>> -> memref<1x16x32xi32, #tpu.memory_space<hbm>>
      %dma_wait3A_848 = tpu.memref_squeeze %dma_wait3A_847 : memref<1x16x32xi32, #tpu.memory_space<hbm>> -> memref<16x32xi32, #tpu.memory_space<hbm>>
      %dma_wait3A_849 = arith.constant 0 : i32
      %dma_wait3A_850 = arith.constant 0 : i32
      %dma_wait3A_851 = tpu.memref_slice %arg3[%add3A, %dma_wait3A_849, %dma_wait3A_850] : memref<32x16x32xi32, #tpu.memory_space<hbm>> -> memref<1x16x32xi32, #tpu.memory_space<hbm>>
      %dma_wait3A_852 = tpu.memref_squeeze %dma_wait3A_851 : memref<1x16x32xi32, #tpu.memory_space<hbm>> -> memref<16x32xi32, #tpu.memory_space<hbm>>
      tpu.wait_dma2 semaphore(%run_scoped3A : memref<!tpu.dma_semaphore, #tpu.memory_space<semaphore_mem>>) src(%dma_wait3A_852 : memref<16x32xi32, #tpu.memory_space<hbm>>) dst(%arg5 : memref<16x32xi32, #tpu.memory_space<vmem>>)
      tpu.yield
    }) : () -> ()
    %dma_start3A = arith.constant 0 : i32
    %dma_start3A_3 = arith.constant 0 : i32
    %dma_start3A_4 = arith.constant 0 : i32
    %dma_start3A_5 = arith.constant 0 : i32
    %dma_start3A_6 = tpu.memref_slice %arg6[%dma_start3A_3, %dma_start3A_4, %dma_start3A_5] : memref<16x32x128xf32, #tpu.memory_space<vmem>> -> memref<1x32x128xf32, #tpu.memory_space<vmem>>
    %dma_start3A_7 = tpu.memref_squeeze %dma_start3A_6 : memref<1x32x128xf32, #tpu.memory_space<vmem>> -> memref<32x128xf32, #tpu.memory_space<vmem>>
    %dma_start3A_8 = arith.constant 0 : i32
    %dma_start3A_9 = tpu.memref_slice %arg5[%dma_start3A, %dma_start3A_8] : memref<16x32xi32, #tpu.memory_space<vmem>> -> memref<1x32xi32, #tpu.memory_space<vmem>>
    %dma_start3A_10 = tpu.memref_squeeze %dma_start3A_9 : memref<1x32xi32, #tpu.memory_space<vmem>> -> memref<32xi32, #tpu.memory_space<vmem>>
    %dma_start3A_11 = arith.constant 0 : i32
    %dma_start3A_12 = arith.constant 0 : i32
    %dma_start3A_13 = tpu.memref_slice %arg2[%dma_start3A_11, %dma_start3A_12] : memref<1000x128xf32, #tpu.memory_space<hbm>> -> memref<1000x128xf32, #tpu.memory_space<hbm>>
    tpu.enqueue_indirect_dma source(%dma_start3A_13 : memref<1000x128xf32, #tpu.memory_space<hbm>>) target(%dma_start3A_7 : memref<32x128xf32, #tpu.memory_space<vmem>>) offsets(%dma_start3A_10 : memref<32xi32, #tpu.memory_space<vmem>>) semaphore(%arg8 : memref<!tpu.dma_semaphore, #tpu.memory_space<semaphore_mem>>)
    %lt3A = arith.constant 15 : i32
    %lt3A_14 = arith.cmpi slt, %arg1, %lt3A : i32
    %convert_element_type3A = arith.extui %lt3A_14 : i1 to i32
    %cond3A = arith.constant 0 : i32
    %cond3A_15 = arith.cmpi ne, %convert_element_type3A, %cond3A : i32
    scf.if %cond3A_15 {
      %mul3A_837 = arith.constant 64 : i32
      %mul3A_838 = arith.muli %arg1, %mul3A_837 : i32
      "tpu.region"() ({
        %run_scoped3A = tpu.sem_alloc : memref<!tpu.dma_semaphore, #tpu.memory_space<semaphore_mem>>
        %dma_start3A_839 = arith.constant 0 : i32
        %dma_start3A_840 = tpu.memref_slice %arg7[%mul3A_838, %dma_start3A_839] : memref<1000x128xf32, #tpu.memory_space<vmem_shared>> -> memref<64x128xf32, #tpu.memory_space<vmem_shared>>
        %dma_start3A_841 = arith.constant 0 : i32
        %dma_start3A_842 = tpu.memref_slice %arg2[%mul3A_838, %dma_start3A_841] : memref<1000x128xf32, #tpu.memory_space<hbm>> -> memref<64x128xf32, #tpu.memory_space<hbm>>
        tpu.enqueue_dma source(%dma_start3A_842 : memref<64x128xf32, #tpu.memory_space<hbm>>) target(%dma_start3A_840 : memref<64x128xf32, #tpu.memory_space<vmem_shared>>) target_semaphore(%run_scoped3A : memref<!tpu.dma_semaphore, #tpu.memory_space<semaphore_mem>>)
        %dma_wait3A_843 = arith.constant 0 : i32
        %dma_wait3A_844 = tpu.memref_slice %arg7[%mul3A_838, %dma_wait3A_843] : memref<1000x128xf32, #tpu.memory_space<vmem_shared>> -> memref<64x128xf32, #tpu.memory_space<vmem_shared>>
        %dma_wait3A_845 = arith.constant 0 : i32
        %dma_wait3A_846 = tpu.memref_slice %arg2[%mul3A_838, %dma_wait3A_845] : memref<1000x128xf32, #tpu.memory_space<hbm>> -> memref<64x128xf32, #tpu.memory_space<hbm>>
        tpu.wait_dma2 semaphore(%run_scoped3A : memref<!tpu.dma_semaphore, #tpu.memory_space<semaphore_mem>>) src(%dma_wait3A_846 : memref<64x128xf32, #tpu.memory_space<hbm>>) dst(%dma_wait3A_844 : memref<64x128xf32, #tpu.memory_space<vmem_shared>>)
        tpu.yield
      }) : () -> ()
    } else {
    }
    %eq3A = arith.constant 15 : i32
    %eq3A_16 = arith.cmpi eq, %arg1, %eq3A : i32
    %convert_element_type3A_17 = arith.extui %eq3A_16 : i1 to i32
    %cond3A_18 = arith.constant 0 : i32
    %cond3A_19 = arith.cmpi ne, %convert_element_type3A_17, %cond3A_18 : i32
    scf.if %cond3A_19 {
      "tpu.region"() ({
        %run_scoped3A = tpu.sem_alloc : memref<!tpu.dma_semaphore, #tpu.memory_space<semaphore_mem>>
        %dma_start3A_837 = arith.constant 960 : i32
        %dma_start3A_838 = arith.constant 0 : i32
        %dma_start3A_839 = tpu.memref_slice %arg7[%dma_start3A_837, %dma_start3A_838] : memref<1000x128xf32, #tpu.memory_space<vmem_shared>> -> memref<40x128xf32, #tpu.memory_space<vmem_shared>>
        %dma_start3A_840 = arith.constant 960 : i32
        %dma_start3A_841 = arith.constant 0 : i32
        %dma_start3A_842 = tpu.memref_slice %arg2[%dma_start3A_840, %dma_start3A_841] : memref<1000x128xf32, #tpu.memory_space<hbm>> -> memref<40x128xf32, #tpu.memory_space<hbm>>
        tpu.enqueue_dma source(%dma_start3A_842 : memref<40x128xf32, #tpu.memory_space<hbm>>) target(%dma_start3A_839 : memref<40x128xf32, #tpu.memory_space<vmem_shared>>) target_semaphore(%run_scoped3A : memref<!tpu.dma_semaphore, #tpu.memory_space<semaphore_mem>>)
        %dma_wait3A_843 = arith.constant 960 : i32
        %dma_wait3A_844 = arith.constant 0 : i32
        %dma_wait3A_845 = tpu.memref_slice %arg7[%dma_wait3A_843, %dma_wait3A_844] : memref<1000x128xf32, #tpu.memory_space<vmem_shared>> -> memref<40x128xf32, #tpu.memory_space<vmem_shared>>
        %dma_wait3A_846 = arith.constant 960 : i32
        %dma_wait3A_847 = arith.constant 0 : i32
        %dma_wait3A_848 = tpu.memref_slice %arg2[%dma_wait3A_846, %dma_wait3A_847] : memref<1000x128xf32, #tpu.memory_space<hbm>> -> memref<40x128xf32, #tpu.memory_space<hbm>>
        tpu.wait_dma2 semaphore(%run_scoped3A : memref<!tpu.dma_semaphore, #tpu.memory_space<semaphore_mem>>) src(%dma_wait3A_848 : memref<40x128xf32, #tpu.memory_space<hbm>>) dst(%dma_wait3A_845 : memref<40x128xf32, #tpu.memory_space<vmem_shared>>)
        tpu.yield
      }) : () -> ()
    } else {
    }
    %dma_wait3A = arith.constant 0 : i32
    %dma_wait3A_20 = arith.constant 0 : i32
    %dma_wait3A_21 = arith.constant 0 : i32
    %dma_wait3A_22 = arith.constant 0 : i32
    %dma_wait3A_23 = tpu.memref_slice %arg6[%dma_wait3A_20, %dma_wait3A_21, %dma_wait3A_22] : memref<16x32x128xf32, #tpu.memory_space<vmem>> -> memref<1x32x128xf32, #tpu.memory_space<vmem>>
    %dma_wait3A_24 = tpu.memref_squeeze %dma_wait3A_23 : memref<1x32x128xf32, #tpu.memory_space<vmem>> -> memref<32x128xf32, #tpu.memory_space<vmem>>
    %dma_wait3A_25 = arith.constant 0 : i32
    %dma_wait3A_26 = tpu.memref_slice %arg5[%dma_wait3A, %dma_wait3A_25] : memref<16x32xi32, #tpu.memory_space<vmem>> -> memref<1x32xi32, #tpu.memory_space<vmem>>
    %dma_wait3A_27 = tpu.memref_squeeze %dma_wait3A_26 : memref<1x32xi32, #tpu.memory_space<vmem>> -> memref<32xi32, #tpu.memory_space<vmem>>
    %dma_wait3A_28 = arith.constant 0 : i32
    %dma_wait3A_29 = arith.constant 0 : i32
    %dma_wait3A_30 = tpu.memref_slice %arg2[%dma_wait3A_28, %dma_wait3A_29] : memref<1000x128xf32, #tpu.memory_space<hbm>> -> memref<1000x128xf32, #tpu.memory_space<hbm>>
    tpu.wait_indirect_dma semaphore(%arg8 : memref<!tpu.dma_semaphore, #tpu.memory_space<semaphore_mem>>) src(%dma_wait3A_30 : memref<1000x128xf32, #tpu.memory_space<hbm>>) dst(%dma_wait3A_24 : memref<32x128xf32, #tpu.memory_space<vmem>>)
    %dma_start3A_31 = arith.constant 0 : i32
    %dma_start3A_32 = arith.constant 0 : i32
    %dma_start3A_33 = arith.constant 0 : i32
    %dma_start3A_34 = tpu.memref_slice %arg6[%dma_start3A_31, %dma_start3A_32, %dma_start3A_33] : memref<16x32x128xf32, #tpu.memory_space<vmem>> -> memref<1x32x128xf32, #tpu.memory_space<vmem>>
    %dma_start3A_35 = tpu.memref_squeeze %dma_start3A_34 : memref<1x32x128xf32, #tpu.memory_space<vmem>> -> memref<32x128xf32, #tpu.memory_space<vmem>>
    %dma_start3A_36 = arith.constant 0 : i32
    %dma_start3A_37 = tpu.memref_slice %arg4[%mul3A_2, %dma_start3A_36] : memref<16384x128xf32, #tpu.memory_space<hbm>> -> memref<32x128xf32, #tpu.memory_space<hbm>>
    %dma_start3A_38 = arith.constant 0 : i32
    %dma_start3A_39 = tpu.memref_slice %arg4[%mul3A_2, %dma_start3A_38] : memref<16384x128xf32, #tpu.memory_space<hbm>> -> memref<32x128xf32, #tpu.memory_space<hbm>>
    %dma_start3A_40 = arith.constant 0 : i32
    %dma_start3A_41 = arith.constant 0 : i32
    %dma_start3A_42 = tpu.memref_slice %arg6[%dma_start3A_31, %dma_start3A_40, %dma_start3A_41] : memref<16x32x128xf32, #tpu.memory_space<vmem>> -> memref<1x32x128xf32, #tpu.memory_space<vmem>>
    %dma_start3A_43 = tpu.memref_squeeze %dma_start3A_42 : memref<1x32x128xf32, #tpu.memory_space<vmem>> -> memref<32x128xf32, #tpu.memory_space<vmem>>
    tpu.enqueue_dma source(%dma_start3A_43 : memref<32x128xf32, #tpu.memory_space<vmem>>) target(%dma_start3A_39 : memref<32x128xf32, #tpu.memory_space<hbm>>) target_semaphore(%arg10 : memref<!tpu.dma_semaphore, #tpu.memory_space<semaphore_mem>>)
    %barrier3A = arith.constant 0 : index
    tpu.barrier barrier_id(%barrier3A)
    %dma_start3A_44 = arith.constant 1 : i32
    %dma_start3A_45 = arith.constant 1 : i32
    %dma_start3A_46 = arith.constant 0 : i32
    %dma_start3A_47 = arith.constant 0 : i32
    %dma_start3A_48 = tpu.memref_slice %arg6[%dma_start3A_45, %dma_start3A_46, %dma_start3A_47] : memref<16x32x128xf32, #tpu.memory_space<vmem>> -> memref<1x32x128xf32, #tpu.memory_space<vmem>>
    %dma_start3A_49 = tpu.memref_squeeze %dma_start3A_48 : memref<1x32x128xf32, #tpu.memory_space<vmem>> -> memref<32x128xf32, #tpu.memory_space<vmem>>
    %dma_start3A_50 = arith.constant 0 : i32
    %dma_start3A_51 = tpu.memref_slice %arg5[%dma_start3A_44, %dma_start3A_50] : memref<16x32xi32, #tpu.memory_space<vmem>> -> memref<1x32xi32, #tpu.memory_space<vmem>>
    %dma_start3A_52 = tpu.memref_squeeze %dma_start3A_51 : memref<1x32xi32, #tpu.memory_space<vmem>> -> memref<32xi32, #tpu.memory_space<vmem>>
    %dma_start3A_53 = arith.constant 0 : i32
    %dma_start3A_54 = arith.constant 0 : i32
    %dma_start3A_55 = tpu.memref_slice %arg7[%dma_start3A_53, %dma_start3A_54] : memref<1000x128xf32, #tpu.memory_space<vmem_shared>> -> memref<1000x128xf32, #tpu.memory_space<vmem_shared>>
    tpu.enqueue_indirect_dma source(%dma_start3A_55 : memref<1000x128xf32, #tpu.memory_space<vmem_shared>>) target(%dma_start3A_49 : memref<32x128xf32, #tpu.memory_space<vmem>>) offsets(%dma_start3A_52 : memref<32xi32, #tpu.memory_space<vmem>>) semaphore(%arg9 : memref<!tpu.dma_semaphore, #tpu.memory_space<semaphore_mem>>)
    %dma_start3A_56 = arith.constant 2 : i32
    %dma_start3A_57 = arith.constant 2 : i32
    %dma_start3A_58 = arith.constant 0 : i32
    %dma_start3A_59 = arith.constant 0 : i32
    %dma_start3A_60 = tpu.memref_slice %arg6[%dma_start3A_57, %dma_start3A_58, %dma_start3A_59] : memref<16x32x128xf32, #tpu.memory_space<vmem>> -> memref<1x32x128xf32, #tpu.memory_space<vmem>>
    %dma_start3A_61 = tpu.memref_squeeze %dma_start3A_60 : memref<1x32x128xf32, #tpu.memory_space<vmem>> -> memref<32x128xf32, #tpu.memory_space<vmem>>
    %dma_start3A_62 = arith.constant 0 : i32
    %dma_start3A_63 = tpu.memref_slice %arg5[%dma_start3A_56, %dma_start3A_62] : memref<16x32xi32, #tpu.memory_space<vmem>> -> memref<1x32xi32, #tpu.memory_space<vmem>>
    %dma_start3A_64 = tpu.memref_squeeze %dma_start3A_63 : memref<1x32xi32, #tpu.memory_space<vmem>> -> memref<32xi32, #tpu.memory_space<vmem>>
    %dma_start3A_65 = arith.constant 0 : i32
    %dma_start3A_66 = arith.constant 0 : i32
    %dma_start3A_67 = tpu.memref_slice %arg7[%dma_start3A_65, %dma_start3A_66] : memref<1000x128xf32, #tpu.memory_space<vmem_shared>> -> memref<1000x128xf32, #tpu.memory_space<vmem_shared>>
    tpu.enqueue_indirect_dma source(%dma_start3A_67 : memref<1000x128xf32, #tpu.memory_space<vmem_shared>>) target(%dma_start3A_61 : memref<32x128xf32, #tpu.memory_space<vmem>>) offsets(%dma_start3A_64 : memref<32xi32, #tpu.memory_space<vmem>>) semaphore(%arg9 : memref<!tpu.dma_semaphore, #tpu.memory_space<semaphore_mem>>)
    %dma_start3A_68 = arith.constant 3 : i32
    %dma_start3A_69 = arith.constant 3 : i32
    %dma_start3A_70 = arith.constant 0 : i32
    %dma_start3A_71 = arith.constant 0 : i32
    %dma_start3A_72 = tpu.memref_slice %arg6[%dma_start3A_69, %dma_start3A_70, %dma_start3A_71] : memref<16x32x128xf32, #tpu.memory_space<vmem>> -> memref<1x32x128xf32, #tpu.memory_space<vmem>>
    %dma_start3A_73 = tpu.memref_squeeze %dma_start3A_72 : memref<1x32x128xf32, #tpu.memory_space<vmem>> -> memref<32x128xf32, #tpu.memory_space<vmem>>
    %dma_start3A_74 = arith.constant 0 : i32
    %dma_start3A_75 = tpu.memref_slice %arg5[%dma_start3A_68, %dma_start3A_74] : memref<16x32xi32, #tpu.memory_space<vmem>> -> memref<1x32xi32, #tpu.memory_space<vmem>>
    %dma_start3A_76 = tpu.memref_squeeze %dma_start3A_75 : memref<1x32xi32, #tpu.memory_space<vmem>> -> memref<32xi32, #tpu.memory_space<vmem>>
    %dma_start3A_77 = arith.constant 0 : i32
    %dma_start3A_78 = arith.constant 0 : i32
    %dma_start3A_79 = tpu.memref_slice %arg7[%dma_start3A_77, %dma_start3A_78] : memref<1000x128xf32, #tpu.memory_space<vmem_shared>> -> memref<1000x128xf32, #tpu.memory_space<vmem_shared>>
    tpu.enqueue_indirect_dma source(%dma_start3A_79 : memref<1000x128xf32, #tpu.memory_space<vmem_shared>>) target(%dma_start3A_73 : memref<32x128xf32, #tpu.memory_space<vmem>>) offsets(%dma_start3A_76 : memref<32xi32, #tpu.memory_space<vmem>>) semaphore(%arg9 : memref<!tpu.dma_semaphore, #tpu.memory_space<semaphore_mem>>)
    %dma_start3A_80 = arith.constant 4 : i32
    %dma_start3A_81 = arith.constant 4 : i32
    %dma_start3A_82 = arith.constant 0 : i32
    %dma_start3A_83 = arith.constant 0 : i32
    %dma_start3A_84 = tpu.memref_slice %arg6[%dma_start3A_81, %dma_start3A_82, %dma_start3A_83] : memref<16x32x128xf32, #tpu.memory_space<vmem>> -> memref<1x32x128xf32, #tpu.memory_space<vmem>>
    %dma_start3A_85 = tpu.memref_squeeze %dma_start3A_84 : memref<1x32x128xf32, #tpu.memory_space<vmem>> -> memref<32x128xf32, #tpu.memory_space<vmem>>
    %dma_start3A_86 = arith.constant 0 : i32
    %dma_start3A_87 = tpu.memref_slice %arg5[%dma_start3A_80, %dma_start3A_86] : memref<16x32xi32, #tpu.memory_space<vmem>> -> memref<1x32xi32, #tpu.memory_space<vmem>>
    %dma_start3A_88 = tpu.memref_squeeze %dma_start3A_87 : memref<1x32xi32, #tpu.memory_space<vmem>> -> memref<32xi32, #tpu.memory_space<vmem>>
    %dma_start3A_89 = arith.constant 0 : i32
    %dma_start3A_90 = arith.constant 0 : i32
    %dma_start3A_91 = tpu.memref_slice %arg7[%dma_start3A_89, %dma_start3A_90] : memref<1000x128xf32, #tpu.memory_space<vmem_shared>> -> memref<1000x128xf32, #tpu.memory_space<vmem_shared>>
    tpu.enqueue_indirect_dma source(%dma_start3A_91 : memref<1000x128xf32, #tpu.memory_space<vmem_shared>>) target(%dma_start3A_85 : memref<32x128xf32, #tpu.memory_space<vmem>>) offsets(%dma_start3A_88 : memref<32xi32, #tpu.memory_space<vmem>>) semaphore(%arg9 : memref<!tpu.dma_semaphore, #tpu.memory_space<semaphore_mem>>)
    %dma_start3A_92 = arith.constant 5 : i32
    %dma_start3A_93 = arith.constant 5 : i32
    %dma_start3A_94 = arith.constant 0 : i32
    %dma_start3A_95 = arith.constant 0 : i32
    %dma_start3A_96 = tpu.memref_slice %arg6[%dma_start3A_93, %dma_start3A_94, %dma_start3A_95] : memref<16x32x128xf32, #tpu.memory_space<vmem>> -> memref<1x32x128xf32, #tpu.memory_space<vmem>>
    %dma_start3A_97 = tpu.memref_squeeze %dma_start3A_96 : memref<1x32x128xf32, #tpu.memory_space<vmem>> -> memref<32x128xf32, #tpu.memory_space<vmem>>
    %dma_start3A_98 = arith.constant 0 : i32
    %dma_start3A_99 = tpu.memref_slice %arg5[%dma_start3A_92, %dma_start3A_98] : memref<16x32xi32, #tpu.memory_space<vmem>> -> memref<1x32xi32, #tpu.memory_space<vmem>>
    %dma_start3A_100 = tpu.memref_squeeze %dma_start3A_99 : memref<1x32xi32, #tpu.memory_space<vmem>> -> memref<32xi32, #tpu.memory_space<vmem>>
    %dma_start3A_101 = arith.constant 0 : i32
    %dma_start3A_102 = arith.constant 0 : i32
    %dma_start3A_103 = tpu.memref_slice %arg7[%dma_start3A_101, %dma_start3A_102] : memref<1000x128xf32, #tpu.memory_space<vmem_shared>> -> memref<1000x128xf32, #tpu.memory_space<vmem_shared>>
    tpu.enqueue_indirect_dma source(%dma_start3A_103 : memref<1000x128xf32, #tpu.memory_space<vmem_shared>>) target(%dma_start3A_97 : memref<32x128xf32, #tpu.memory_space<vmem>>) offsets(%dma_start3A_100 : memref<32xi32, #tpu.memory_space<vmem>>) semaphore(%arg9 : memref<!tpu.dma_semaphore, #tpu.memory_space<semaphore_mem>>)
    %dma_start3A_104 = arith.constant 6 : i32
    %dma_start3A_105 = arith.constant 6 : i32
    %dma_start3A_106 = arith.constant 0 : i32
    %dma_start3A_107 = arith.constant 0 : i32
    %dma_start3A_108 = tpu.memref_slice %arg6[%dma_start3A_105, %dma_start3A_106, %dma_start3A_107] : memref<16x32x128xf32, #tpu.memory_space<vmem>> -> memref<1x32x128xf32, #tpu.memory_space<vmem>>
    %dma_start3A_109 = tpu.memref_squeeze %dma_start3A_108 : memref<1x32x128xf32, #tpu.memory_space<vmem>> -> memref<32x128xf32, #tpu.memory_space<vmem>>
    %dma_start3A_110 = arith.constant 0 : i32
    %dma_start3A_111 = tpu.memref_slice %arg5[%dma_start3A_104, %dma_start3A_110] : memref<16x32xi32, #tpu.memory_space<vmem>> -> memref<1x32xi32, #tpu.memory_space<vmem>>
    %dma_start3A_112 = tpu.memref_squeeze %dma_start3A_111 : memref<1x32xi32, #tpu.memory_space<vmem>> -> memref<32xi32, #tpu.memory_space<vmem>>
    %dma_start3A_113 = arith.constant 0 : i32
    %dma_start3A_114 = arith.constant 0 : i32
    %dma_start3A_115 = tpu.memref_slice %arg7[%dma_start3A_113, %dma_start3A_114] : memref<1000x128xf32, #tpu.memory_space<vmem_shared>> -> memref<1000x128xf32, #tpu.memory_space<vmem_shared>>
    tpu.enqueue_indirect_dma source(%dma_start3A_115 : memref<1000x128xf32, #tpu.memory_space<vmem_shared>>) target(%dma_start3A_109 : memref<32x128xf32, #tpu.memory_space<vmem>>) offsets(%dma_start3A_112 : memref<32xi32, #tpu.memory_space<vmem>>) semaphore(%arg9 : memref<!tpu.dma_semaphore, #tpu.memory_space<semaphore_mem>>)
    %dma_start3A_116 = arith.constant 7 : i32
    %dma_start3A_117 = arith.constant 7 : i32
    %dma_start3A_118 = arith.constant 0 : i32
    %dma_start3A_119 = arith.constant 0 : i32
    %dma_start3A_120 = tpu.memref_slice %arg6[%dma_start3A_117, %dma_start3A_118, %dma_start3A_119] : memref<16x32x128xf32, #tpu.memory_space<vmem>> -> memref<1x32x128xf32, #tpu.memory_space<vmem>>
    %dma_start3A_121 = tpu.memref_squeeze %dma_start3A_120 : memref<1x32x128xf32, #tpu.memory_space<vmem>> -> memref<32x128xf32, #tpu.memory_space<vmem>>
    %dma_start3A_122 = arith.constant 0 : i32
    %dma_start3A_123 = tpu.memref_slice %arg5[%dma_start3A_116, %dma_start3A_122] : memref<16x32xi32, #tpu.memory_space<vmem>> -> memref<1x32xi32, #tpu.memory_space<vmem>>
    %dma_start3A_124 = tpu.memref_squeeze %dma_start3A_123 : memref<1x32xi32, #tpu.memory_space<vmem>> -> memref<32xi32, #tpu.memory_space<vmem>>
    %dma_start3A_125 = arith.constant 0 : i32
    %dma_start3A_126 = arith.constant 0 : i32
    %dma_start3A_127 = tpu.memref_slice %arg7[%dma_start3A_125, %dma_start3A_126] : memref<1000x128xf32, #tpu.memory_space<vmem_shared>> -> memref<1000x128xf32, #tpu.memory_space<vmem_shared>>
    tpu.enqueue_indirect_dma source(%dma_start3A_127 : memref<1000x128xf32, #tpu.memory_space<vmem_shared>>) target(%dma_start3A_121 : memref<32x128xf32, #tpu.memory_space<vmem>>) offsets(%dma_start3A_124 : memref<32xi32, #tpu.memory_space<vmem>>) semaphore(%arg9 : memref<!tpu.dma_semaphore, #tpu.memory_space<semaphore_mem>>)
    %dma_start3A_128 = arith.constant 8 : i32
    %dma_start3A_129 = arith.constant 8 : i32
    %dma_start3A_130 = arith.constant 0 : i32
    %dma_start3A_131 = arith.constant 0 : i32
    %dma_start3A_132 = tpu.memref_slice %arg6[%dma_start3A_129, %dma_start3A_130, %dma_start3A_131] : memref<16x32x128xf32, #tpu.memory_space<vmem>> -> memref<1x32x128xf32, #tpu.memory_space<vmem>>
    %dma_start3A_133 = tpu.memref_squeeze %dma_start3A_132 : memref<1x32x128xf32, #tpu.memory_space<vmem>> -> memref<32x128xf32, #tpu.memory_space<vmem>>
    %dma_start3A_134 = arith.constant 0 : i32
    %dma_start3A_135 = tpu.memref_slice %arg5[%dma_start3A_128, %dma_start3A_134] : memref<16x32xi32, #tpu.memory_space<vmem>> -> memref<1x32xi32, #tpu.memory_space<vmem>>
    %dma_start3A_136 = tpu.memref_squeeze %dma_start3A_135 : memref<1x32xi32, #tpu.memory_space<vmem>> -> memref<32xi32, #tpu.memory_space<vmem>>
    %dma_start3A_137 = arith.constant 0 : i32
    %dma_start3A_138 = arith.constant 0 : i32
    %dma_start3A_139 = tpu.memref_slice %arg7[%dma_start3A_137, %dma_start3A_138] : memref<1000x128xf32, #tpu.memory_space<vmem_shared>> -> memref<1000x128xf32, #tpu.memory_space<vmem_shared>>
    tpu.enqueue_indirect_dma source(%dma_start3A_139 : memref<1000x128xf32, #tpu.memory_space<vmem_shared>>) target(%dma_start3A_133 : memref<32x128xf32, #tpu.memory_space<vmem>>) offsets(%dma_start3A_136 : memref<32xi32, #tpu.memory_space<vmem>>) semaphore(%arg9 : memref<!tpu.dma_semaphore, #tpu.memory_space<semaphore_mem>>)
    %dma_start3A_140 = arith.constant 9 : i32
    %dma_start3A_141 = arith.constant 9 : i32
    %dma_start3A_142 = arith.constant 0 : i32
    %dma_start3A_143 = arith.constant 0 : i32
    %dma_start3A_144 = tpu.memref_slice %arg6[%dma_start3A_141, %dma_start3A_142, %dma_start3A_143] : memref<16x32x128xf32, #tpu.memory_space<vmem>> -> memref<1x32x128xf32, #tpu.memory_space<vmem>>
    %dma_start3A_145 = tpu.memref_squeeze %dma_start3A_144 : memref<1x32x128xf32, #tpu.memory_space<vmem>> -> memref<32x128xf32, #tpu.memory_space<vmem>>
    %dma_start3A_146 = arith.constant 0 : i32
    %dma_start3A_147 = tpu.memref_slice %arg5[%dma_start3A_140, %dma_start3A_146] : memref<16x32xi32, #tpu.memory_space<vmem>> -> memref<1x32xi32, #tpu.memory_space<vmem>>
    %dma_start3A_148 = tpu.memref_squeeze %dma_start3A_147 : memref<1x32xi32, #tpu.memory_space<vmem>> -> memref<32xi32, #tpu.memory_space<vmem>>
    %dma_start3A_149 = arith.constant 0 : i32
    %dma_start3A_150 = arith.constant 0 : i32
    %dma_start3A_151 = tpu.memref_slice %arg7[%dma_start3A_149, %dma_start3A_150] : memref<1000x128xf32, #tpu.memory_space<vmem_shared>> -> memref<1000x128xf32, #tpu.memory_space<vmem_shared>>
    tpu.enqueue_indirect_dma source(%dma_start3A_151 : memref<1000x128xf32, #tpu.memory_space<vmem_shared>>) target(%dma_start3A_145 : memref<32x128xf32, #tpu.memory_space<vmem>>) offsets(%dma_start3A_148 : memref<32xi32, #tpu.memory_space<vmem>>) semaphore(%arg9 : memref<!tpu.dma_semaphore, #tpu.memory_space<semaphore_mem>>)
    %dma_start3A_152 = arith.constant 10 : i32
    %dma_start3A_153 = arith.constant 10 : i32
    %dma_start3A_154 = arith.constant 0 : i32
    %dma_start3A_155 = arith.constant 0 : i32
    %dma_start3A_156 = tpu.memref_slice %arg6[%dma_start3A_153, %dma_start3A_154, %dma_start3A_155] : memref<16x32x128xf32, #tpu.memory_space<vmem>> -> memref<1x32x128xf32, #tpu.memory_space<vmem>>
    %dma_start3A_157 = tpu.memref_squeeze %dma_start3A_156 : memref<1x32x128xf32, #tpu.memory_space<vmem>> -> memref<32x128xf32, #tpu.memory_space<vmem>>
    %dma_start3A_158 = arith.constant 0 : i32
    %dma_start3A_159 = tpu.memref_slice %arg5[%dma_start3A_152, %dma_start3A_158] : memref<16x32xi32, #tpu.memory_space<vmem>> -> memref<1x32xi32, #tpu.memory_space<vmem>>
    %dma_start3A_160 = tpu.memref_squeeze %dma_start3A_159 : memref<1x32xi32, #tpu.memory_space<vmem>> -> memref<32xi32, #tpu.memory_space<vmem>>
    %dma_start3A_161 = arith.constant 0 : i32
    %dma_start3A_162 = arith.constant 0 : i32
    %dma_start3A_163 = tpu.memref_slice %arg7[%dma_start3A_161, %dma_start3A_162] : memref<1000x128xf32, #tpu.memory_space<vmem_shared>> -> memref<1000x128xf32, #tpu.memory_space<vmem_shared>>
    tpu.enqueue_indirect_dma source(%dma_start3A_163 : memref<1000x128xf32, #tpu.memory_space<vmem_shared>>) target(%dma_start3A_157 : memref<32x128xf32, #tpu.memory_space<vmem>>) offsets(%dma_start3A_160 : memref<32xi32, #tpu.memory_space<vmem>>) semaphore(%arg9 : memref<!tpu.dma_semaphore, #tpu.memory_space<semaphore_mem>>)
    %dma_start3A_164 = arith.constant 11 : i32
    %dma_start3A_165 = arith.constant 11 : i32
    %dma_start3A_166 = arith.constant 0 : i32
    %dma_start3A_167 = arith.constant 0 : i32
    %dma_start3A_168 = tpu.memref_slice %arg6[%dma_start3A_165, %dma_start3A_166, %dma_start3A_167] : memref<16x32x128xf32, #tpu.memory_space<vmem>> -> memref<1x32x128xf32, #tpu.memory_space<vmem>>
    %dma_start3A_169 = tpu.memref_squeeze %dma_start3A_168 : memref<1x32x128xf32, #tpu.memory_space<vmem>> -> memref<32x128xf32, #tpu.memory_space<vmem>>
    %dma_start3A_170 = arith.constant 0 : i32
    %dma_start3A_171 = tpu.memref_slice %arg5[%dma_start3A_164, %dma_start3A_170] : memref<16x32xi32, #tpu.memory_space<vmem>> -> memref<1x32xi32, #tpu.memory_space<vmem>>
    %dma_start3A_172 = tpu.memref_squeeze %dma_start3A_171 : memref<1x32xi32, #tpu.memory_space<vmem>> -> memref<32xi32, #tpu.memory_space<vmem>>
    %dma_start3A_173 = arith.constant 0 : i32
    %dma_start3A_174 = arith.constant 0 : i32
    %dma_start3A_175 = tpu.memref_slice %arg7[%dma_start3A_173, %dma_start3A_174] : memref<1000x128xf32, #tpu.memory_space<vmem_shared>> -> memref<1000x128xf32, #tpu.memory_space<vmem_shared>>
    tpu.enqueue_indirect_dma source(%dma_start3A_175 : memref<1000x128xf32, #tpu.memory_space<vmem_shared>>) target(%dma_start3A_169 : memref<32x128xf32, #tpu.memory_space<vmem>>) offsets(%dma_start3A_172 : memref<32xi32, #tpu.memory_space<vmem>>) semaphore(%arg9 : memref<!tpu.dma_semaphore, #tpu.memory_space<semaphore_mem>>)
    %dma_start3A_176 = arith.constant 12 : i32
    %dma_start3A_177 = arith.constant 12 : i32
    %dma_start3A_178 = arith.constant 0 : i32
    %dma_start3A_179 = arith.constant 0 : i32
    %dma_start3A_180 = tpu.memref_slice %arg6[%dma_start3A_177, %dma_start3A_178, %dma_start3A_179] : memref<16x32x128xf32, #tpu.memory_space<vmem>> -> memref<1x32x128xf32, #tpu.memory_space<vmem>>
    %dma_start3A_181 = tpu.memref_squeeze %dma_start3A_180 : memref<1x32x128xf32, #tpu.memory_space<vmem>> -> memref<32x128xf32, #tpu.memory_space<vmem>>
    %dma_start3A_182 = arith.constant 0 : i32
    %dma_start3A_183 = tpu.memref_slice %arg5[%dma_start3A_176, %dma_start3A_182] : memref<16x32xi32, #tpu.memory_space<vmem>> -> memref<1x32xi32, #tpu.memory_space<vmem>>
    %dma_start3A_184 = tpu.memref_squeeze %dma_start3A_183 : memref<1x32xi32, #tpu.memory_space<vmem>> -> memref<32xi32, #tpu.memory_space<vmem>>
    %dma_start3A_185 = arith.constant 0 : i32
    %dma_start3A_186 = arith.constant 0 : i32
    %dma_start3A_187 = tpu.memref_slice %arg7[%dma_start3A_185, %dma_start3A_186] : memref<1000x128xf32, #tpu.memory_space<vmem_shared>> -> memref<1000x128xf32, #tpu.memory_space<vmem_shared>>
    tpu.enqueue_indirect_dma source(%dma_start3A_187 : memref<1000x128xf32, #tpu.memory_space<vmem_shared>>) target(%dma_start3A_181 : memref<32x128xf32, #tpu.memory_space<vmem>>) offsets(%dma_start3A_184 : memref<32xi32, #tpu.memory_space<vmem>>) semaphore(%arg9 : memref<!tpu.dma_semaphore, #tpu.memory_space<semaphore_mem>>)
    %dma_start3A_188 = arith.constant 13 : i32
    %dma_start3A_189 = arith.constant 13 : i32
    %dma_start3A_190 = arith.constant 0 : i32
    %dma_start3A_191 = arith.constant 0 : i32
    %dma_start3A_192 = tpu.memref_slice %arg6[%dma_start3A_189, %dma_start3A_190, %dma_start3A_191] : memref<16x32x128xf32, #tpu.memory_space<vmem>> -> memref<1x32x128xf32, #tpu.memory_space<vmem>>
    %dma_start3A_193 = tpu.memref_squeeze %dma_start3A_192 : memref<1x32x128xf32, #tpu.memory_space<vmem>> -> memref<32x128xf32, #tpu.memory_space<vmem>>
    %dma_start3A_194 = arith.constant 0 : i32
    %dma_start3A_195 = tpu.memref_slice %arg5[%dma_start3A_188, %dma_start3A_194] : memref<16x32xi32, #tpu.memory_space<vmem>> -> memref<1x32xi32, #tpu.memory_space<vmem>>
    %dma_start3A_196 = tpu.memref_squeeze %dma_start3A_195 : memref<1x32xi32, #tpu.memory_space<vmem>> -> memref<32xi32, #tpu.memory_space<vmem>>
    %dma_start3A_197 = arith.constant 0 : i32
    %dma_start3A_198 = arith.constant 0 : i32
    %dma_start3A_199 = tpu.memref_slice %arg7[%dma_start3A_197, %dma_start3A_198] : memref<1000x128xf32, #tpu.memory_space<vmem_shared>> -> memref<1000x128xf32, #tpu.memory_space<vmem_shared>>
    tpu.enqueue_indirect_dma source(%dma_start3A_199 : memref<1000x128xf32, #tpu.memory_space<vmem_shared>>) target(%dma_start3A_193 : memref<32x128xf32, #tpu.memory_space<vmem>>) offsets(%dma_start3A_196 : memref<32xi32, #tpu.memory_space<vmem>>) semaphore(%arg9 : memref<!tpu.dma_semaphore, #tpu.memory_space<semaphore_mem>>)
    %dma_start3A_200 = arith.constant 14 : i32
    %dma_start3A_201 = arith.constant 14 : i32
    %dma_start3A_202 = arith.constant 0 : i32
    %dma_start3A_203 = arith.constant 0 : i32
    %dma_start3A_204 = tpu.memref_slice %arg6[%dma_start3A_201, %dma_start3A_202, %dma_start3A_203] : memref<16x32x128xf32, #tpu.memory_space<vmem>> -> memref<1x32x128xf32, #tpu.memory_space<vmem>>
    %dma_start3A_205 = tpu.memref_squeeze %dma_start3A_204 : memref<1x32x128xf32, #tpu.memory_space<vmem>> -> memref<32x128xf32, #tpu.memory_space<vmem>>
    %dma_start3A_206 = arith.constant 0 : i32
    %dma_start3A_207 = tpu.memref_slice %arg5[%dma_start3A_200, %dma_start3A_206] : memref<16x32xi32, #tpu.memory_space<vmem>> -> memref<1x32xi32, #tpu.memory_space<vmem>>
    %dma_start3A_208 = tpu.memref_squeeze %dma_start3A_207 : memref<1x32xi32, #tpu.memory_space<vmem>> -> memref<32xi32, #tpu.memory_space<vmem>>
    %dma_start3A_209 = arith.constant 0 : i32
    %dma_start3A_210 = arith.constant 0 : i32
    %dma_start3A_211 = tpu.memref_slice %arg7[%dma_start3A_209, %dma_start3A_210] : memref<1000x128xf32, #tpu.memory_space<vmem_shared>> -> memref<1000x128xf32, #tpu.memory_space<vmem_shared>>
    tpu.enqueue_indirect_dma source(%dma_start3A_211 : memref<1000x128xf32, #tpu.memory_space<vmem_shared>>) target(%dma_start3A_205 : memref<32x128xf32, #tpu.memory_space<vmem>>) offsets(%dma_start3A_208 : memref<32xi32, #tpu.memory_space<vmem>>) semaphore(%arg9 : memref<!tpu.dma_semaphore, #tpu.memory_space<semaphore_mem>>)
    %dma_start3A_212 = arith.constant 15 : i32
    %dma_start3A_213 = arith.constant 15 : i32
    %dma_start3A_214 = arith.constant 0 : i32
    %dma_start3A_215 = arith.constant 0 : i32
    %dma_start3A_216 = tpu.memref_slice %arg6[%dma_start3A_213, %dma_start3A_214, %dma_start3A_215] : memref<16x32x128xf32, #tpu.memory_space<vmem>> -> memref<1x32x128xf32, #tpu.memory_space<vmem>>
    %dma_start3A_217 = tpu.memref_squeeze %dma_start3A_216 : memref<1x32x128xf32, #tpu.memory_space<vmem>> -> memref<32x128xf32, #tpu.memory_space<vmem>>
    %dma_start3A_218 = arith.constant 0 : i32
    %dma_start3A_219 = tpu.memref_slice %arg5[%dma_start3A_212, %dma_start3A_218] : memref<16x32xi32, #tpu.memory_space<vmem>> -> memref<1x32xi32, #tpu.memory_space<vmem>>
    %dma_start3A_220 = tpu.memref_squeeze %dma_start3A_219 : memref<1x32xi32, #tpu.memory_space<vmem>> -> memref<32xi32, #tpu.memory_space<vmem>>
    %dma_start3A_221 = arith.constant 0 : i32
    %dma_start3A_222 = arith.constant 0 : i32
    %dma_start3A_223 = tpu.memref_slice %arg7[%dma_start3A_221, %dma_start3A_222] : memref<1000x128xf32, #tpu.memory_space<vmem_shared>> -> memref<1000x128xf32, #tpu.memory_space<vmem_shared>>
    tpu.enqueue_indirect_dma source(%dma_start3A_223 : memref<1000x128xf32, #tpu.memory_space<vmem_shared>>) target(%dma_start3A_217 : memref<32x128xf32, #tpu.memory_space<vmem>>) offsets(%dma_start3A_220 : memref<32xi32, #tpu.memory_space<vmem>>) semaphore(%arg9 : memref<!tpu.dma_semaphore, #tpu.memory_space<semaphore_mem>>)
    %dma_wait3A_224 = arith.constant 1 : i32
    %dma_wait3A_225 = arith.constant 1 : i32
    %dma_wait3A_226 = arith.constant 0 : i32
    %dma_wait3A_227 = arith.constant 0 : i32
    %dma_wait3A_228 = tpu.memref_slice %arg6[%dma_wait3A_225, %dma_wait3A_226, %dma_wait3A_227] : memref<16x32x128xf32, #tpu.memory_space<vmem>> -> memref<1x32x128xf32, #tpu.memory_space<vmem>>
    %dma_wait3A_229 = tpu.memref_squeeze %dma_wait3A_228 : memref<1x32x128xf32, #tpu.memory_space<vmem>> -> memref<32x128xf32, #tpu.memory_space<vmem>>
    %dma_wait3A_230 = arith.constant 0 : i32
    %dma_wait3A_231 = tpu.memref_slice %arg5[%dma_wait3A_224, %dma_wait3A_230] : memref<16x32xi32, #tpu.memory_space<vmem>> -> memref<1x32xi32, #tpu.memory_space<vmem>>
    %dma_wait3A_232 = tpu.memref_squeeze %dma_wait3A_231 : memref<1x32xi32, #tpu.memory_space<vmem>> -> memref<32xi32, #tpu.memory_space<vmem>>
    %dma_wait3A_233 = arith.constant 0 : i32
    %dma_wait3A_234 = arith.constant 0 : i32
    %dma_wait3A_235 = tpu.memref_slice %arg7[%dma_wait3A_233, %dma_wait3A_234] : memref<1000x128xf32, #tpu.memory_space<vmem_shared>> -> memref<1000x128xf32, #tpu.memory_space<vmem_shared>>
    tpu.wait_indirect_dma semaphore(%arg9 : memref<!tpu.dma_semaphore, #tpu.memory_space<semaphore_mem>>) src(%dma_wait3A_235 : memref<1000x128xf32, #tpu.memory_space<vmem_shared>>) dst(%dma_wait3A_229 : memref<32x128xf32, #tpu.memory_space<vmem>>)
    %add3A_236 = arith.constant 32 : i32
    %add3A_237 = arith.addi %mul3A_2, %add3A_236 : i32
    %dma_start3A_238 = arith.constant 1 : i32
    %dma_start3A_239 = arith.constant 0 : i32
    %dma_start3A_240 = arith.constant 0 : i32
    %dma_start3A_241 = tpu.memref_slice %arg6[%dma_start3A_238, %dma_start3A_239, %dma_start3A_240] : memref<16x32x128xf32, #tpu.memory_space<vmem>> -> memref<1x32x128xf32, #tpu.memory_space<vmem>>
    %dma_start3A_242 = tpu.memref_squeeze %dma_start3A_241 : memref<1x32x128xf32, #tpu.memory_space<vmem>> -> memref<32x128xf32, #tpu.memory_space<vmem>>
    %dma_start3A_243 = arith.constant 0 : i32
    %dma_start3A_244 = tpu.memref_slice %arg4[%add3A_237, %dma_start3A_243] : memref<16384x128xf32, #tpu.memory_space<hbm>> -> memref<32x128xf32, #tpu.memory_space<hbm>>
    %dma_start3A_245 = arith.constant 0 : i32
    %dma_start3A_246 = tpu.memref_slice %arg4[%add3A_237, %dma_start3A_245] : memref<16384x128xf32, #tpu.memory_space<hbm>> -> memref<32x128xf32, #tpu.memory_space<hbm>>
    %dma_start3A_247 = arith.constant 0 : i32
    %dma_start3A_248 = arith.constant 0 : i32
    %dma_start3A_249 = tpu.memref_slice %arg6[%dma_start3A_238, %dma_start3A_247, %dma_start3A_248] : memref<16x32x128xf32, #tpu.memory_space<vmem>> -> memref<1x32x128xf32, #tpu.memory_space<vmem>>
    %dma_start3A_250 = tpu.memref_squeeze %dma_start3A_249 : memref<1x32x128xf32, #tpu.memory_space<vmem>> -> memref<32x128xf32, #tpu.memory_space<vmem>>
    tpu.enqueue_dma source(%dma_start3A_250 : memref<32x128xf32, #tpu.memory_space<vmem>>) target(%dma_start3A_246 : memref<32x128xf32, #tpu.memory_space<hbm>>) target_semaphore(%arg10 : memref<!tpu.dma_semaphore, #tpu.memory_space<semaphore_mem>>)
    %dma_wait3A_251 = arith.constant 2 : i32
    %dma_wait3A_252 = arith.constant 2 : i32
    %dma_wait3A_253 = arith.constant 0 : i32
    %dma_wait3A_254 = arith.constant 0 : i32
    %dma_wait3A_255 = tpu.memref_slice %arg6[%dma_wait3A_252, %dma_wait3A_253, %dma_wait3A_254] : memref<16x32x128xf32, #tpu.memory_space<vmem>> -> memref<1x32x128xf32, #tpu.memory_space<vmem>>
    %dma_wait3A_256 = tpu.memref_squeeze %dma_wait3A_255 : memref<1x32x128xf32, #tpu.memory_space<vmem>> -> memref<32x128xf32, #tpu.memory_space<vmem>>
    %dma_wait3A_257 = arith.constant 0 : i32
    %dma_wait3A_258 = tpu.memref_slice %arg5[%dma_wait3A_251, %dma_wait3A_257] : memref<16x32xi32, #tpu.memory_space<vmem>> -> memref<1x32xi32, #tpu.memory_space<vmem>>
    %dma_wait3A_259 = tpu.memref_squeeze %dma_wait3A_258 : memref<1x32xi32, #tpu.memory_space<vmem>> -> memref<32xi32, #tpu.memory_space<vmem>>
    %dma_wait3A_260 = arith.constant 0 : i32
    %dma_wait3A_261 = arith.constant 0 : i32
    %dma_wait3A_262 = tpu.memref_slice %arg7[%dma_wait3A_260, %dma_wait3A_261] : memref<1000x128xf32, #tpu.memory_space<vmem_shared>> -> memref<1000x128xf32, #tpu.memory_space<vmem_shared>>
    tpu.wait_indirect_dma semaphore(%arg9 : memref<!tpu.dma_semaphore, #tpu.memory_space<semaphore_mem>>) src(%dma_wait3A_262 : memref<1000x128xf32, #tpu.memory_space<vmem_shared>>) dst(%dma_wait3A_256 : memref<32x128xf32, #tpu.memory_space<vmem>>)
    %add3A_263 = arith.constant 64 : i32
    %add3A_264 = arith.addi %mul3A_2, %add3A_263 : i32
    %dma_start3A_265 = arith.constant 2 : i32
    %dma_start3A_266 = arith.constant 0 : i32
    %dma_start3A_267 = arith.constant 0 : i32
    %dma_start3A_268 = tpu.memref_slice %arg6[%dma_start3A_265, %dma_start3A_266, %dma_start3A_267] : memref<16x32x128xf32, #tpu.memory_space<vmem>> -> memref<1x32x128xf32, #tpu.memory_space<vmem>>
    %dma_start3A_269 = tpu.memref_squeeze %dma_start3A_268 : memref<1x32x128xf32, #tpu.memory_space<vmem>> -> memref<32x128xf32, #tpu.memory_space<vmem>>
    %dma_start3A_270 = arith.constant 0 : i32
    %dma_start3A_271 = tpu.memref_slice %arg4[%add3A_264, %dma_start3A_270] : memref<16384x128xf32, #tpu.memory_space<hbm>> -> memref<32x128xf32, #tpu.memory_space<hbm>>
    %dma_start3A_272 = arith.constant 0 : i32
    %dma_start3A_273 = tpu.memref_slice %arg4[%add3A_264, %dma_start3A_272] : memref<16384x128xf32, #tpu.memory_space<hbm>> -> memref<32x128xf32, #tpu.memory_space<hbm>>
    %dma_start3A_274 = arith.constant 0 : i32
    %dma_start3A_275 = arith.constant 0 : i32
    %dma_start3A_276 = tpu.memref_slice %arg6[%dma_start3A_265, %dma_start3A_274, %dma_start3A_275] : memref<16x32x128xf32, #tpu.memory_space<vmem>> -> memref<1x32x128xf32, #tpu.memory_space<vmem>>
    %dma_start3A_277 = tpu.memref_squeeze %dma_start3A_276 : memref<1x32x128xf32, #tpu.memory_space<vmem>> -> memref<32x128xf32, #tpu.memory_space<vmem>>
    tpu.enqueue_dma source(%dma_start3A_277 : memref<32x128xf32, #tpu.memory_space<vmem>>) target(%dma_start3A_273 : memref<32x128xf32, #tpu.memory_space<hbm>>) target_semaphore(%arg10 : memref<!tpu.dma_semaphore, #tpu.memory_space<semaphore_mem>>)
    %dma_wait3A_278 = arith.constant 3 : i32
    %dma_wait3A_279 = arith.constant 3 : i32
    %dma_wait3A_280 = arith.constant 0 : i32
    %dma_wait3A_281 = arith.constant 0 : i32
    %dma_wait3A_282 = tpu.memref_slice %arg6[%dma_wait3A_279, %dma_wait3A_280, %dma_wait3A_281] : memref<16x32x128xf32, #tpu.memory_space<vmem>> -> memref<1x32x128xf32, #tpu.memory_space<vmem>>
    %dma_wait3A_283 = tpu.memref_squeeze %dma_wait3A_282 : memref<1x32x128xf32, #tpu.memory_space<vmem>> -> memref<32x128xf32, #tpu.memory_space<vmem>>
    %dma_wait3A_284 = arith.constant 0 : i32
    %dma_wait3A_285 = tpu.memref_slice %arg5[%dma_wait3A_278, %dma_wait3A_284] : memref<16x32xi32, #tpu.memory_space<vmem>> -> memref<1x32xi32, #tpu.memory_space<vmem>>
    %dma_wait3A_286 = tpu.memref_squeeze %dma_wait3A_285 : memref<1x32xi32, #tpu.memory_space<vmem>> -> memref<32xi32, #tpu.memory_space<vmem>>
    %dma_wait3A_287 = arith.constant 0 : i32
    %dma_wait3A_288 = arith.constant 0 : i32
    %dma_wait3A_289 = tpu.memref_slice %arg7[%dma_wait3A_287, %dma_wait3A_288] : memref<1000x128xf32, #tpu.memory_space<vmem_shared>> -> memref<1000x128xf32, #tpu.memory_space<vmem_shared>>
    tpu.wait_indirect_dma semaphore(%arg9 : memref<!tpu.dma_semaphore, #tpu.memory_space<semaphore_mem>>) src(%dma_wait3A_289 : memref<1000x128xf32, #tpu.memory_space<vmem_shared>>) dst(%dma_wait3A_283 : memref<32x128xf32, #tpu.memory_space<vmem>>)
    %add3A_290 = arith.constant 96 : i32
    %add3A_291 = arith.addi %mul3A_2, %add3A_290 : i32
    %dma_start3A_292 = arith.constant 3 : i32
    %dma_start3A_293 = arith.constant 0 : i32
    %dma_start3A_294 = arith.constant 0 : i32
    %dma_start3A_295 = tpu.memref_slice %arg6[%dma_start3A_292, %dma_start3A_293, %dma_start3A_294] : memref<16x32x128xf32, #tpu.memory_space<vmem>> -> memref<1x32x128xf32, #tpu.memory_space<vmem>>
    %dma_start3A_296 = tpu.memref_squeeze %dma_start3A_295 : memref<1x32x128xf32, #tpu.memory_space<vmem>> -> memref<32x128xf32, #tpu.memory_space<vmem>>
    %dma_start3A_297 = arith.constant 0 : i32
    %dma_start3A_298 = tpu.memref_slice %arg4[%add3A_291, %dma_start3A_297] : memref<16384x128xf32, #tpu.memory_space<hbm>> -> memref<32x128xf32, #tpu.memory_space<hbm>>
    %dma_start3A_299 = arith.constant 0 : i32
    %dma_start3A_300 = tpu.memref_slice %arg4[%add3A_291, %dma_start3A_299] : memref<16384x128xf32, #tpu.memory_space<hbm>> -> memref<32x128xf32, #tpu.memory_space<hbm>>
    %dma_start3A_301 = arith.constant 0 : i32
    %dma_start3A_302 = arith.constant 0 : i32
    %dma_start3A_303 = tpu.memref_slice %arg6[%dma_start3A_292, %dma_start3A_301, %dma_start3A_302] : memref<16x32x128xf32, #tpu.memory_space<vmem>> -> memref<1x32x128xf32, #tpu.memory_space<vmem>>
    %dma_start3A_304 = tpu.memref_squeeze %dma_start3A_303 : memref<1x32x128xf32, #tpu.memory_space<vmem>> -> memref<32x128xf32, #tpu.memory_space<vmem>>
    tpu.enqueue_dma source(%dma_start3A_304 : memref<32x128xf32, #tpu.memory_space<vmem>>) target(%dma_start3A_300 : memref<32x128xf32, #tpu.memory_space<hbm>>) target_semaphore(%arg10 : memref<!tpu.dma_semaphore, #tpu.memory_space<semaphore_mem>>)
    %dma_wait3A_305 = arith.constant 4 : i32
    %dma_wait3A_306 = arith.constant 4 : i32
    %dma_wait3A_307 = arith.constant 0 : i32
    %dma_wait3A_308 = arith.constant 0 : i32
    %dma_wait3A_309 = tpu.memref_slice %arg6[%dma_wait3A_306, %dma_wait3A_307, %dma_wait3A_308] : memref<16x32x128xf32, #tpu.memory_space<vmem>> -> memref<1x32x128xf32, #tpu.memory_space<vmem>>
    %dma_wait3A_310 = tpu.memref_squeeze %dma_wait3A_309 : memref<1x32x128xf32, #tpu.memory_space<vmem>> -> memref<32x128xf32, #tpu.memory_space<vmem>>
    %dma_wait3A_311 = arith.constant 0 : i32
    %dma_wait3A_312 = tpu.memref_slice %arg5[%dma_wait3A_305, %dma_wait3A_311] : memref<16x32xi32, #tpu.memory_space<vmem>> -> memref<1x32xi32, #tpu.memory_space<vmem>>
    %dma_wait3A_313 = tpu.memref_squeeze %dma_wait3A_312 : memref<1x32xi32, #tpu.memory_space<vmem>> -> memref<32xi32, #tpu.memory_space<vmem>>
    %dma_wait3A_314 = arith.constant 0 : i32
    %dma_wait3A_315 = arith.constant 0 : i32
    %dma_wait3A_316 = tpu.memref_slice %arg7[%dma_wait3A_314, %dma_wait3A_315] : memref<1000x128xf32, #tpu.memory_space<vmem_shared>> -> memref<1000x128xf32, #tpu.memory_space<vmem_shared>>
    tpu.wait_indirect_dma semaphore(%arg9 : memref<!tpu.dma_semaphore, #tpu.memory_space<semaphore_mem>>) src(%dma_wait3A_316 : memref<1000x128xf32, #tpu.memory_space<vmem_shared>>) dst(%dma_wait3A_310 : memref<32x128xf32, #tpu.memory_space<vmem>>)
    %add3A_317 = arith.constant 128 : i32
    %add3A_318 = arith.addi %mul3A_2, %add3A_317 : i32
    %dma_start3A_319 = arith.constant 4 : i32
    %dma_start3A_320 = arith.constant 0 : i32
    %dma_start3A_321 = arith.constant 0 : i32
    %dma_start3A_322 = tpu.memref_slice %arg6[%dma_start3A_319, %dma_start3A_320, %dma_start3A_321] : memref<16x32x128xf32, #tpu.memory_space<vmem>> -> memref<1x32x128xf32, #tpu.memory_space<vmem>>
    %dma_start3A_323 = tpu.memref_squeeze %dma_start3A_322 : memref<1x32x128xf32, #tpu.memory_space<vmem>> -> memref<32x128xf32, #tpu.memory_space<vmem>>
    %dma_start3A_324 = arith.constant 0 : i32
    %dma_start3A_325 = tpu.memref_slice %arg4[%add3A_318, %dma_start3A_324] : memref<16384x128xf32, #tpu.memory_space<hbm>> -> memref<32x128xf32, #tpu.memory_space<hbm>>
    %dma_start3A_326 = arith.constant 0 : i32
    %dma_start3A_327 = tpu.memref_slice %arg4[%add3A_318, %dma_start3A_326] : memref<16384x128xf32, #tpu.memory_space<hbm>> -> memref<32x128xf32, #tpu.memory_space<hbm>>
    %dma_start3A_328 = arith.constant 0 : i32
    %dma_start3A_329 = arith.constant 0 : i32
    %dma_start3A_330 = tpu.memref_slice %arg6[%dma_start3A_319, %dma_start3A_328, %dma_start3A_329] : memref<16x32x128xf32, #tpu.memory_space<vmem>> -> memref<1x32x128xf32, #tpu.memory_space<vmem>>
    %dma_start3A_331 = tpu.memref_squeeze %dma_start3A_330 : memref<1x32x128xf32, #tpu.memory_space<vmem>> -> memref<32x128xf32, #tpu.memory_space<vmem>>
    tpu.enqueue_dma source(%dma_start3A_331 : memref<32x128xf32, #tpu.memory_space<vmem>>) target(%dma_start3A_327 : memref<32x128xf32, #tpu.memory_space<hbm>>) target_semaphore(%arg10 : memref<!tpu.dma_semaphore, #tpu.memory_space<semaphore_mem>>)
    %dma_wait3A_332 = arith.constant 5 : i32
    %dma_wait3A_333 = arith.constant 5 : i32
    %dma_wait3A_334 = arith.constant 0 : i32
    %dma_wait3A_335 = arith.constant 0 : i32
    %dma_wait3A_336 = tpu.memref_slice %arg6[%dma_wait3A_333, %dma_wait3A_334, %dma_wait3A_335] : memref<16x32x128xf32, #tpu.memory_space<vmem>> -> memref<1x32x128xf32, #tpu.memory_space<vmem>>
    %dma_wait3A_337 = tpu.memref_squeeze %dma_wait3A_336 : memref<1x32x128xf32, #tpu.memory_space<vmem>> -> memref<32x128xf32, #tpu.memory_space<vmem>>
    %dma_wait3A_338 = arith.constant 0 : i32
    %dma_wait3A_339 = tpu.memref_slice %arg5[%dma_wait3A_332, %dma_wait3A_338] : memref<16x32xi32, #tpu.memory_space<vmem>> -> memref<1x32xi32, #tpu.memory_space<vmem>>
    %dma_wait3A_340 = tpu.memref_squeeze %dma_wait3A_339 : memref<1x32xi32, #tpu.memory_space<vmem>> -> memref<32xi32, #tpu.memory_space<vmem>>
    %dma_wait3A_341 = arith.constant 0 : i32
    %dma_wait3A_342 = arith.constant 0 : i32
    %dma_wait3A_343 = tpu.memref_slice %arg7[%dma_wait3A_341, %dma_wait3A_342] : memref<1000x128xf32, #tpu.memory_space<vmem_shared>> -> memref<1000x128xf32, #tpu.memory_space<vmem_shared>>
    tpu.wait_indirect_dma semaphore(%arg9 : memref<!tpu.dma_semaphore, #tpu.memory_space<semaphore_mem>>) src(%dma_wait3A_343 : memref<1000x128xf32, #tpu.memory_space<vmem_shared>>) dst(%dma_wait3A_337 : memref<32x128xf32, #tpu.memory_space<vmem>>)
    %add3A_344 = arith.constant 160 : i32
    %add3A_345 = arith.addi %mul3A_2, %add3A_344 : i32
    %dma_start3A_346 = arith.constant 5 : i32
    %dma_start3A_347 = arith.constant 0 : i32
    %dma_start3A_348 = arith.constant 0 : i32
    %dma_start3A_349 = tpu.memref_slice %arg6[%dma_start3A_346, %dma_start3A_347, %dma_start3A_348] : memref<16x32x128xf32, #tpu.memory_space<vmem>> -> memref<1x32x128xf32, #tpu.memory_space<vmem>>
    %dma_start3A_350 = tpu.memref_squeeze %dma_start3A_349 : memref<1x32x128xf32, #tpu.memory_space<vmem>> -> memref<32x128xf32, #tpu.memory_space<vmem>>
    %dma_start3A_351 = arith.constant 0 : i32
    %dma_start3A_352 = tpu.memref_slice %arg4[%add3A_345, %dma_start3A_351] : memref<16384x128xf32, #tpu.memory_space<hbm>> -> memref<32x128xf32, #tpu.memory_space<hbm>>
    %dma_start3A_353 = arith.constant 0 : i32
    %dma_start3A_354 = tpu.memref_slice %arg4[%add3A_345, %dma_start3A_353] : memref<16384x128xf32, #tpu.memory_space<hbm>> -> memref<32x128xf32, #tpu.memory_space<hbm>>
    %dma_start3A_355 = arith.constant 0 : i32
    %dma_start3A_356 = arith.constant 0 : i32
    %dma_start3A_357 = tpu.memref_slice %arg6[%dma_start3A_346, %dma_start3A_355, %dma_start3A_356] : memref<16x32x128xf32, #tpu.memory_space<vmem>> -> memref<1x32x128xf32, #tpu.memory_space<vmem>>
    %dma_start3A_358 = tpu.memref_squeeze %dma_start3A_357 : memref<1x32x128xf32, #tpu.memory_space<vmem>> -> memref<32x128xf32, #tpu.memory_space<vmem>>
    tpu.enqueue_dma source(%dma_start3A_358 : memref<32x128xf32, #tpu.memory_space<vmem>>) target(%dma_start3A_354 : memref<32x128xf32, #tpu.memory_space<hbm>>) target_semaphore(%arg10 : memref<!tpu.dma_semaphore, #tpu.memory_space<semaphore_mem>>)
    %dma_wait3A_359 = arith.constant 6 : i32
    %dma_wait3A_360 = arith.constant 6 : i32
    %dma_wait3A_361 = arith.constant 0 : i32
    %dma_wait3A_362 = arith.constant 0 : i32
    %dma_wait3A_363 = tpu.memref_slice %arg6[%dma_wait3A_360, %dma_wait3A_361, %dma_wait3A_362] : memref<16x32x128xf32, #tpu.memory_space<vmem>> -> memref<1x32x128xf32, #tpu.memory_space<vmem>>
    %dma_wait3A_364 = tpu.memref_squeeze %dma_wait3A_363 : memref<1x32x128xf32, #tpu.memory_space<vmem>> -> memref<32x128xf32, #tpu.memory_space<vmem>>
    %dma_wait3A_365 = arith.constant 0 : i32
    %dma_wait3A_366 = tpu.memref_slice %arg5[%dma_wait3A_359, %dma_wait3A_365] : memref<16x32xi32, #tpu.memory_space<vmem>> -> memref<1x32xi32, #tpu.memory_space<vmem>>
    %dma_wait3A_367 = tpu.memref_squeeze %dma_wait3A_366 : memref<1x32xi32, #tpu.memory_space<vmem>> -> memref<32xi32, #tpu.memory_space<vmem>>
    %dma_wait3A_368 = arith.constant 0 : i32
    %dma_wait3A_369 = arith.constant 0 : i32
    %dma_wait3A_370 = tpu.memref_slice %arg7[%dma_wait3A_368, %dma_wait3A_369] : memref<1000x128xf32, #tpu.memory_space<vmem_shared>> -> memref<1000x128xf32, #tpu.memory_space<vmem_shared>>
    tpu.wait_indirect_dma semaphore(%arg9 : memref<!tpu.dma_semaphore, #tpu.memory_space<semaphore_mem>>) src(%dma_wait3A_370 : memref<1000x128xf32, #tpu.memory_space<vmem_shared>>) dst(%dma_wait3A_364 : memref<32x128xf32, #tpu.memory_space<vmem>>)
    %add3A_371 = arith.constant 192 : i32
    %add3A_372 = arith.addi %mul3A_2, %add3A_371 : i32
    %dma_start3A_373 = arith.constant 6 : i32
    %dma_start3A_374 = arith.constant 0 : i32
    %dma_start3A_375 = arith.constant 0 : i32
    %dma_start3A_376 = tpu.memref_slice %arg6[%dma_start3A_373, %dma_start3A_374, %dma_start3A_375] : memref<16x32x128xf32, #tpu.memory_space<vmem>> -> memref<1x32x128xf32, #tpu.memory_space<vmem>>
    %dma_start3A_377 = tpu.memref_squeeze %dma_start3A_376 : memref<1x32x128xf32, #tpu.memory_space<vmem>> -> memref<32x128xf32, #tpu.memory_space<vmem>>
    %dma_start3A_378 = arith.constant 0 : i32
    %dma_start3A_379 = tpu.memref_slice %arg4[%add3A_372, %dma_start3A_378] : memref<16384x128xf32, #tpu.memory_space<hbm>> -> memref<32x128xf32, #tpu.memory_space<hbm>>
    %dma_start3A_380 = arith.constant 0 : i32
    %dma_start3A_381 = tpu.memref_slice %arg4[%add3A_372, %dma_start3A_380] : memref<16384x128xf32, #tpu.memory_space<hbm>> -> memref<32x128xf32, #tpu.memory_space<hbm>>
    %dma_start3A_382 = arith.constant 0 : i32
    %dma_start3A_383 = arith.constant 0 : i32
    %dma_start3A_384 = tpu.memref_slice %arg6[%dma_start3A_373, %dma_start3A_382, %dma_start3A_383] : memref<16x32x128xf32, #tpu.memory_space<vmem>> -> memref<1x32x128xf32, #tpu.memory_space<vmem>>
    %dma_start3A_385 = tpu.memref_squeeze %dma_start3A_384 : memref<1x32x128xf32, #tpu.memory_space<vmem>> -> memref<32x128xf32, #tpu.memory_space<vmem>>
    tpu.enqueue_dma source(%dma_start3A_385 : memref<32x128xf32, #tpu.memory_space<vmem>>) target(%dma_start3A_381 : memref<32x128xf32, #tpu.memory_space<hbm>>) target_semaphore(%arg10 : memref<!tpu.dma_semaphore, #tpu.memory_space<semaphore_mem>>)
    %dma_wait3A_386 = arith.constant 7 : i32
    %dma_wait3A_387 = arith.constant 7 : i32
    %dma_wait3A_388 = arith.constant 0 : i32
    %dma_wait3A_389 = arith.constant 0 : i32
    %dma_wait3A_390 = tpu.memref_slice %arg6[%dma_wait3A_387, %dma_wait3A_388, %dma_wait3A_389] : memref<16x32x128xf32, #tpu.memory_space<vmem>> -> memref<1x32x128xf32, #tpu.memory_space<vmem>>
    %dma_wait3A_391 = tpu.memref_squeeze %dma_wait3A_390 : memref<1x32x128xf32, #tpu.memory_space<vmem>> -> memref<32x128xf32, #tpu.memory_space<vmem>>
    %dma_wait3A_392 = arith.constant 0 : i32
    %dma_wait3A_393 = tpu.memref_slice %arg5[%dma_wait3A_386, %dma_wait3A_392] : memref<16x32xi32, #tpu.memory_space<vmem>> -> memref<1x32xi32, #tpu.memory_space<vmem>>
    %dma_wait3A_394 = tpu.memref_squeeze %dma_wait3A_393 : memref<1x32xi32, #tpu.memory_space<vmem>> -> memref<32xi32, #tpu.memory_space<vmem>>
    %dma_wait3A_395 = arith.constant 0 : i32
    %dma_wait3A_396 = arith.constant 0 : i32
    %dma_wait3A_397 = tpu.memref_slice %arg7[%dma_wait3A_395, %dma_wait3A_396] : memref<1000x128xf32, #tpu.memory_space<vmem_shared>> -> memref<1000x128xf32, #tpu.memory_space<vmem_shared>>
    tpu.wait_indirect_dma semaphore(%arg9 : memref<!tpu.dma_semaphore, #tpu.memory_space<semaphore_mem>>) src(%dma_wait3A_397 : memref<1000x128xf32, #tpu.memory_space<vmem_shared>>) dst(%dma_wait3A_391 : memref<32x128xf32, #tpu.memory_space<vmem>>)
    %add3A_398 = arith.constant 224 : i32
    %add3A_399 = arith.addi %mul3A_2, %add3A_398 : i32
    %dma_start3A_400 = arith.constant 7 : i32
    %dma_start3A_401 = arith.constant 0 : i32
    %dma_start3A_402 = arith.constant 0 : i32
    %dma_start3A_403 = tpu.memref_slice %arg6[%dma_start3A_400, %dma_start3A_401, %dma_start3A_402] : memref<16x32x128xf32, #tpu.memory_space<vmem>> -> memref<1x32x128xf32, #tpu.memory_space<vmem>>
    %dma_start3A_404 = tpu.memref_squeeze %dma_start3A_403 : memref<1x32x128xf32, #tpu.memory_space<vmem>> -> memref<32x128xf32, #tpu.memory_space<vmem>>
    %dma_start3A_405 = arith.constant 0 : i32
    %dma_start3A_406 = tpu.memref_slice %arg4[%add3A_399, %dma_start3A_405] : memref<16384x128xf32, #tpu.memory_space<hbm>> -> memref<32x128xf32, #tpu.memory_space<hbm>>
    %dma_start3A_407 = arith.constant 0 : i32
    %dma_start3A_408 = tpu.memref_slice %arg4[%add3A_399, %dma_start3A_407] : memref<16384x128xf32, #tpu.memory_space<hbm>> -> memref<32x128xf32, #tpu.memory_space<hbm>>
    %dma_start3A_409 = arith.constant 0 : i32
    %dma_start3A_410 = arith.constant 0 : i32
    %dma_start3A_411 = tpu.memref_slice %arg6[%dma_start3A_400, %dma_start3A_409, %dma_start3A_410] : memref<16x32x128xf32, #tpu.memory_space<vmem>> -> memref<1x32x128xf32, #tpu.memory_space<vmem>>
    %dma_start3A_412 = tpu.memref_squeeze %dma_start3A_411 : memref<1x32x128xf32, #tpu.memory_space<vmem>> -> memref<32x128xf32, #tpu.memory_space<vmem>>
    tpu.enqueue_dma source(%dma_start3A_412 : memref<32x128xf32, #tpu.memory_space<vmem>>) target(%dma_start3A_408 : memref<32x128xf32, #tpu.memory_space<hbm>>) target_semaphore(%arg10 : memref<!tpu.dma_semaphore, #tpu.memory_space<semaphore_mem>>)
    %dma_wait3A_413 = arith.constant 8 : i32
    %dma_wait3A_414 = arith.constant 8 : i32
    %dma_wait3A_415 = arith.constant 0 : i32
    %dma_wait3A_416 = arith.constant 0 : i32
    %dma_wait3A_417 = tpu.memref_slice %arg6[%dma_wait3A_414, %dma_wait3A_415, %dma_wait3A_416] : memref<16x32x128xf32, #tpu.memory_space<vmem>> -> memref<1x32x128xf32, #tpu.memory_space<vmem>>
    %dma_wait3A_418 = tpu.memref_squeeze %dma_wait3A_417 : memref<1x32x128xf32, #tpu.memory_space<vmem>> -> memref<32x128xf32, #tpu.memory_space<vmem>>
    %dma_wait3A_419 = arith.constant 0 : i32
    %dma_wait3A_420 = tpu.memref_slice %arg5[%dma_wait3A_413, %dma_wait3A_419] : memref<16x32xi32, #tpu.memory_space<vmem>> -> memref<1x32xi32, #tpu.memory_space<vmem>>
    %dma_wait3A_421 = tpu.memref_squeeze %dma_wait3A_420 : memref<1x32xi32, #tpu.memory_space<vmem>> -> memref<32xi32, #tpu.memory_space<vmem>>
    %dma_wait3A_422 = arith.constant 0 : i32
    %dma_wait3A_423 = arith.constant 0 : i32
    %dma_wait3A_424 = tpu.memref_slice %arg7[%dma_wait3A_422, %dma_wait3A_423] : memref<1000x128xf32, #tpu.memory_space<vmem_shared>> -> memref<1000x128xf32, #tpu.memory_space<vmem_shared>>
    tpu.wait_indirect_dma semaphore(%arg9 : memref<!tpu.dma_semaphore, #tpu.memory_space<semaphore_mem>>) src(%dma_wait3A_424 : memref<1000x128xf32, #tpu.memory_space<vmem_shared>>) dst(%dma_wait3A_418 : memref<32x128xf32, #tpu.memory_space<vmem>>)
    %add3A_425 = arith.constant 256 : i32
    %add3A_426 = arith.addi %mul3A_2, %add3A_425 : i32
    %dma_start3A_427 = arith.constant 8 : i32
    %dma_start3A_428 = arith.constant 0 : i32
    %dma_start3A_429 = arith.constant 0 : i32
    %dma_start3A_430 = tpu.memref_slice %arg6[%dma_start3A_427, %dma_start3A_428, %dma_start3A_429] : memref<16x32x128xf32, #tpu.memory_space<vmem>> -> memref<1x32x128xf32, #tpu.memory_space<vmem>>
    %dma_start3A_431 = tpu.memref_squeeze %dma_start3A_430 : memref<1x32x128xf32, #tpu.memory_space<vmem>> -> memref<32x128xf32, #tpu.memory_space<vmem>>
    %dma_start3A_432 = arith.constant 0 : i32
    %dma_start3A_433 = tpu.memref_slice %arg4[%add3A_426, %dma_start3A_432] : memref<16384x128xf32, #tpu.memory_space<hbm>> -> memref<32x128xf32, #tpu.memory_space<hbm>>
    %dma_start3A_434 = arith.constant 0 : i32
    %dma_start3A_435 = tpu.memref_slice %arg4[%add3A_426, %dma_start3A_434] : memref<16384x128xf32, #tpu.memory_space<hbm>> -> memref<32x128xf32, #tpu.memory_space<hbm>>
    %dma_start3A_436 = arith.constant 0 : i32
    %dma_start3A_437 = arith.constant 0 : i32
    %dma_start3A_438 = tpu.memref_slice %arg6[%dma_start3A_427, %dma_start3A_436, %dma_start3A_437] : memref<16x32x128xf32, #tpu.memory_space<vmem>> -> memref<1x32x128xf32, #tpu.memory_space<vmem>>
    %dma_start3A_439 = tpu.memref_squeeze %dma_start3A_438 : memref<1x32x128xf32, #tpu.memory_space<vmem>> -> memref<32x128xf32, #tpu.memory_space<vmem>>
    tpu.enqueue_dma source(%dma_start3A_439 : memref<32x128xf32, #tpu.memory_space<vmem>>) target(%dma_start3A_435 : memref<32x128xf32, #tpu.memory_space<hbm>>) target_semaphore(%arg10 : memref<!tpu.dma_semaphore, #tpu.memory_space<semaphore_mem>>)
    %dma_wait3A_440 = arith.constant 9 : i32
    %dma_wait3A_441 = arith.constant 9 : i32
    %dma_wait3A_442 = arith.constant 0 : i32
    %dma_wait3A_443 = arith.constant 0 : i32
    %dma_wait3A_444 = tpu.memref_slice %arg6[%dma_wait3A_441, %dma_wait3A_442, %dma_wait3A_443] : memref<16x32x128xf32, #tpu.memory_space<vmem>> -> memref<1x32x128xf32, #tpu.memory_space<vmem>>
    %dma_wait3A_445 = tpu.memref_squeeze %dma_wait3A_444 : memref<1x32x128xf32, #tpu.memory_space<vmem>> -> memref<32x128xf32, #tpu.memory_space<vmem>>
    %dma_wait3A_446 = arith.constant 0 : i32
    %dma_wait3A_447 = tpu.memref_slice %arg5[%dma_wait3A_440, %dma_wait3A_446] : memref<16x32xi32, #tpu.memory_space<vmem>> -> memref<1x32xi32, #tpu.memory_space<vmem>>
    %dma_wait3A_448 = tpu.memref_squeeze %dma_wait3A_447 : memref<1x32xi32, #tpu.memory_space<vmem>> -> memref<32xi32, #tpu.memory_space<vmem>>
    %dma_wait3A_449 = arith.constant 0 : i32
    %dma_wait3A_450 = arith.constant 0 : i32
    %dma_wait3A_451 = tpu.memref_slice %arg7[%dma_wait3A_449, %dma_wait3A_450] : memref<1000x128xf32, #tpu.memory_space<vmem_shared>> -> memref<1000x128xf32, #tpu.memory_space<vmem_shared>>
    tpu.wait_indirect_dma semaphore(%arg9 : memref<!tpu.dma_semaphore, #tpu.memory_space<semaphore_mem>>) src(%dma_wait3A_451 : memref<1000x128xf32, #tpu.memory_space<vmem_shared>>) dst(%dma_wait3A_445 : memref<32x128xf32, #tpu.memory_space<vmem>>)
    %add3A_452 = arith.constant 288 : i32
    %add3A_453 = arith.addi %mul3A_2, %add3A_452 : i32
    %dma_start3A_454 = arith.constant 9 : i32
    %dma_start3A_455 = arith.constant 0 : i32
    %dma_start3A_456 = arith.constant 0 : i32
    %dma_start3A_457 = tpu.memref_slice %arg6[%dma_start3A_454, %dma_start3A_455, %dma_start3A_456] : memref<16x32x128xf32, #tpu.memory_space<vmem>> -> memref<1x32x128xf32, #tpu.memory_space<vmem>>
    %dma_start3A_458 = tpu.memref_squeeze %dma_start3A_457 : memref<1x32x128xf32, #tpu.memory_space<vmem>> -> memref<32x128xf32, #tpu.memory_space<vmem>>
    %dma_start3A_459 = arith.constant 0 : i32
    %dma_start3A_460 = tpu.memref_slice %arg4[%add3A_453, %dma_start3A_459] : memref<16384x128xf32, #tpu.memory_space<hbm>> -> memref<32x128xf32, #tpu.memory_space<hbm>>
    %dma_start3A_461 = arith.constant 0 : i32
    %dma_start3A_462 = tpu.memref_slice %arg4[%add3A_453, %dma_start3A_461] : memref<16384x128xf32, #tpu.memory_space<hbm>> -> memref<32x128xf32, #tpu.memory_space<hbm>>
    %dma_start3A_463 = arith.constant 0 : i32
    %dma_start3A_464 = arith.constant 0 : i32
    %dma_start3A_465 = tpu.memref_slice %arg6[%dma_start3A_454, %dma_start3A_463, %dma_start3A_464] : memref<16x32x128xf32, #tpu.memory_space<vmem>> -> memref<1x32x128xf32, #tpu.memory_space<vmem>>
    %dma_start3A_466 = tpu.memref_squeeze %dma_start3A_465 : memref<1x32x128xf32, #tpu.memory_space<vmem>> -> memref<32x128xf32, #tpu.memory_space<vmem>>
    tpu.enqueue_dma source(%dma_start3A_466 : memref<32x128xf32, #tpu.memory_space<vmem>>) target(%dma_start3A_462 : memref<32x128xf32, #tpu.memory_space<hbm>>) target_semaphore(%arg10 : memref<!tpu.dma_semaphore, #tpu.memory_space<semaphore_mem>>)
    %dma_wait3A_467 = arith.constant 10 : i32
    %dma_wait3A_468 = arith.constant 10 : i32
    %dma_wait3A_469 = arith.constant 0 : i32
    %dma_wait3A_470 = arith.constant 0 : i32
    %dma_wait3A_471 = tpu.memref_slice %arg6[%dma_wait3A_468, %dma_wait3A_469, %dma_wait3A_470] : memref<16x32x128xf32, #tpu.memory_space<vmem>> -> memref<1x32x128xf32, #tpu.memory_space<vmem>>
    %dma_wait3A_472 = tpu.memref_squeeze %dma_wait3A_471 : memref<1x32x128xf32, #tpu.memory_space<vmem>> -> memref<32x128xf32, #tpu.memory_space<vmem>>
    %dma_wait3A_473 = arith.constant 0 : i32
    %dma_wait3A_474 = tpu.memref_slice %arg5[%dma_wait3A_467, %dma_wait3A_473] : memref<16x32xi32, #tpu.memory_space<vmem>> -> memref<1x32xi32, #tpu.memory_space<vmem>>
    %dma_wait3A_475 = tpu.memref_squeeze %dma_wait3A_474 : memref<1x32xi32, #tpu.memory_space<vmem>> -> memref<32xi32, #tpu.memory_space<vmem>>
    %dma_wait3A_476 = arith.constant 0 : i32
    %dma_wait3A_477 = arith.constant 0 : i32
    %dma_wait3A_478 = tpu.memref_slice %arg7[%dma_wait3A_476, %dma_wait3A_477] : memref<1000x128xf32, #tpu.memory_space<vmem_shared>> -> memref<1000x128xf32, #tpu.memory_space<vmem_shared>>
    tpu.wait_indirect_dma semaphore(%arg9 : memref<!tpu.dma_semaphore, #tpu.memory_space<semaphore_mem>>) src(%dma_wait3A_478 : memref<1000x128xf32, #tpu.memory_space<vmem_shared>>) dst(%dma_wait3A_472 : memref<32x128xf32, #tpu.memory_space<vmem>>)
    %add3A_479 = arith.constant 320 : i32
    %add3A_480 = arith.addi %mul3A_2, %add3A_479 : i32
    %dma_start3A_481 = arith.constant 10 : i32
    %dma_start3A_482 = arith.constant 0 : i32
    %dma_start3A_483 = arith.constant 0 : i32
    %dma_start3A_484 = tpu.memref_slice %arg6[%dma_start3A_481, %dma_start3A_482, %dma_start3A_483] : memref<16x32x128xf32, #tpu.memory_space<vmem>> -> memref<1x32x128xf32, #tpu.memory_space<vmem>>
    %dma_start3A_485 = tpu.memref_squeeze %dma_start3A_484 : memref<1x32x128xf32, #tpu.memory_space<vmem>> -> memref<32x128xf32, #tpu.memory_space<vmem>>
    %dma_start3A_486 = arith.constant 0 : i32
    %dma_start3A_487 = tpu.memref_slice %arg4[%add3A_480, %dma_start3A_486] : memref<16384x128xf32, #tpu.memory_space<hbm>> -> memref<32x128xf32, #tpu.memory_space<hbm>>
    %dma_start3A_488 = arith.constant 0 : i32
    %dma_start3A_489 = tpu.memref_slice %arg4[%add3A_480, %dma_start3A_488] : memref<16384x128xf32, #tpu.memory_space<hbm>> -> memref<32x128xf32, #tpu.memory_space<hbm>>
    %dma_start3A_490 = arith.constant 0 : i32
    %dma_start3A_491 = arith.constant 0 : i32
    %dma_start3A_492 = tpu.memref_slice %arg6[%dma_start3A_481, %dma_start3A_490, %dma_start3A_491] : memref<16x32x128xf32, #tpu.memory_space<vmem>> -> memref<1x32x128xf32, #tpu.memory_space<vmem>>
    %dma_start3A_493 = tpu.memref_squeeze %dma_start3A_492 : memref<1x32x128xf32, #tpu.memory_space<vmem>> -> memref<32x128xf32, #tpu.memory_space<vmem>>
    tpu.enqueue_dma source(%dma_start3A_493 : memref<32x128xf32, #tpu.memory_space<vmem>>) target(%dma_start3A_489 : memref<32x128xf32, #tpu.memory_space<hbm>>) target_semaphore(%arg10 : memref<!tpu.dma_semaphore, #tpu.memory_space<semaphore_mem>>)
    %dma_wait3A_494 = arith.constant 11 : i32
    %dma_wait3A_495 = arith.constant 11 : i32
    %dma_wait3A_496 = arith.constant 0 : i32
    %dma_wait3A_497 = arith.constant 0 : i32
    %dma_wait3A_498 = tpu.memref_slice %arg6[%dma_wait3A_495, %dma_wait3A_496, %dma_wait3A_497] : memref<16x32x128xf32, #tpu.memory_space<vmem>> -> memref<1x32x128xf32, #tpu.memory_space<vmem>>
    %dma_wait3A_499 = tpu.memref_squeeze %dma_wait3A_498 : memref<1x32x128xf32, #tpu.memory_space<vmem>> -> memref<32x128xf32, #tpu.memory_space<vmem>>
    %dma_wait3A_500 = arith.constant 0 : i32
    %dma_wait3A_501 = tpu.memref_slice %arg5[%dma_wait3A_494, %dma_wait3A_500] : memref<16x32xi32, #tpu.memory_space<vmem>> -> memref<1x32xi32, #tpu.memory_space<vmem>>
    %dma_wait3A_502 = tpu.memref_squeeze %dma_wait3A_501 : memref<1x32xi32, #tpu.memory_space<vmem>> -> memref<32xi32, #tpu.memory_space<vmem>>
    %dma_wait3A_503 = arith.constant 0 : i32
    %dma_wait3A_504 = arith.constant 0 : i32
    %dma_wait3A_505 = tpu.memref_slice %arg7[%dma_wait3A_503, %dma_wait3A_504] : memref<1000x128xf32, #tpu.memory_space<vmem_shared>> -> memref<1000x128xf32, #tpu.memory_space<vmem_shared>>
    tpu.wait_indirect_dma semaphore(%arg9 : memref<!tpu.dma_semaphore, #tpu.memory_space<semaphore_mem>>) src(%dma_wait3A_505 : memref<1000x128xf32, #tpu.memory_space<vmem_shared>>) dst(%dma_wait3A_499 : memref<32x128xf32, #tpu.memory_space<vmem>>)
    %add3A_506 = arith.constant 352 : i32
    %add3A_507 = arith.addi %mul3A_2, %add3A_506 : i32
    %dma_start3A_508 = arith.constant 11 : i32
    %dma_start3A_509 = arith.constant 0 : i32
    %dma_start3A_510 = arith.constant 0 : i32
    %dma_start3A_511 = tpu.memref_slice %arg6[%dma_start3A_508, %dma_start3A_509, %dma_start3A_510] : memref<16x32x128xf32, #tpu.memory_space<vmem>> -> memref<1x32x128xf32, #tpu.memory_space<vmem>>
    %dma_start3A_512 = tpu.memref_squeeze %dma_start3A_511 : memref<1x32x128xf32, #tpu.memory_space<vmem>> -> memref<32x128xf32, #tpu.memory_space<vmem>>
    %dma_start3A_513 = arith.constant 0 : i32
    %dma_start3A_514 = tpu.memref_slice %arg4[%add3A_507, %dma_start3A_513] : memref<16384x128xf32, #tpu.memory_space<hbm>> -> memref<32x128xf32, #tpu.memory_space<hbm>>
    %dma_start3A_515 = arith.constant 0 : i32
    %dma_start3A_516 = tpu.memref_slice %arg4[%add3A_507, %dma_start3A_515] : memref<16384x128xf32, #tpu.memory_space<hbm>> -> memref<32x128xf32, #tpu.memory_space<hbm>>
    %dma_start3A_517 = arith.constant 0 : i32
    %dma_start3A_518 = arith.constant 0 : i32
    %dma_start3A_519 = tpu.memref_slice %arg6[%dma_start3A_508, %dma_start3A_517, %dma_start3A_518] : memref<16x32x128xf32, #tpu.memory_space<vmem>> -> memref<1x32x128xf32, #tpu.memory_space<vmem>>
    %dma_start3A_520 = tpu.memref_squeeze %dma_start3A_519 : memref<1x32x128xf32, #tpu.memory_space<vmem>> -> memref<32x128xf32, #tpu.memory_space<vmem>>
    tpu.enqueue_dma source(%dma_start3A_520 : memref<32x128xf32, #tpu.memory_space<vmem>>) target(%dma_start3A_516 : memref<32x128xf32, #tpu.memory_space<hbm>>) target_semaphore(%arg10 : memref<!tpu.dma_semaphore, #tpu.memory_space<semaphore_mem>>)
    %dma_wait3A_521 = arith.constant 12 : i32
    %dma_wait3A_522 = arith.constant 12 : i32
    %dma_wait3A_523 = arith.constant 0 : i32
    %dma_wait3A_524 = arith.constant 0 : i32
    %dma_wait3A_525 = tpu.memref_slice %arg6[%dma_wait3A_522, %dma_wait3A_523, %dma_wait3A_524] : memref<16x32x128xf32, #tpu.memory_space<vmem>> -> memref<1x32x128xf32, #tpu.memory_space<vmem>>
    %dma_wait3A_526 = tpu.memref_squeeze %dma_wait3A_525 : memref<1x32x128xf32, #tpu.memory_space<vmem>> -> memref<32x128xf32, #tpu.memory_space<vmem>>
    %dma_wait3A_527 = arith.constant 0 : i32
    %dma_wait3A_528 = tpu.memref_slice %arg5[%dma_wait3A_521, %dma_wait3A_527] : memref<16x32xi32, #tpu.memory_space<vmem>> -> memref<1x32xi32, #tpu.memory_space<vmem>>
    %dma_wait3A_529 = tpu.memref_squeeze %dma_wait3A_528 : memref<1x32xi32, #tpu.memory_space<vmem>> -> memref<32xi32, #tpu.memory_space<vmem>>
    %dma_wait3A_530 = arith.constant 0 : i32
    %dma_wait3A_531 = arith.constant 0 : i32
    %dma_wait3A_532 = tpu.memref_slice %arg7[%dma_wait3A_530, %dma_wait3A_531] : memref<1000x128xf32, #tpu.memory_space<vmem_shared>> -> memref<1000x128xf32, #tpu.memory_space<vmem_shared>>
    tpu.wait_indirect_dma semaphore(%arg9 : memref<!tpu.dma_semaphore, #tpu.memory_space<semaphore_mem>>) src(%dma_wait3A_532 : memref<1000x128xf32, #tpu.memory_space<vmem_shared>>) dst(%dma_wait3A_526 : memref<32x128xf32, #tpu.memory_space<vmem>>)
    %add3A_533 = arith.constant 384 : i32
    %add3A_534 = arith.addi %mul3A_2, %add3A_533 : i32
    %dma_start3A_535 = arith.constant 12 : i32
    %dma_start3A_536 = arith.constant 0 : i32
    %dma_start3A_537 = arith.constant 0 : i32
    %dma_start3A_538 = tpu.memref_slice %arg6[%dma_start3A_535, %dma_start3A_536, %dma_start3A_537] : memref<16x32x128xf32, #tpu.memory_space<vmem>> -> memref<1x32x128xf32, #tpu.memory_space<vmem>>
    %dma_start3A_539 = tpu.memref_squeeze %dma_start3A_538 : memref<1x32x128xf32, #tpu.memory_space<vmem>> -> memref<32x128xf32, #tpu.memory_space<vmem>>
    %dma_start3A_540 = arith.constant 0 : i32
    %dma_start3A_541 = tpu.memref_slice %arg4[%add3A_534, %dma_start3A_540] : memref<16384x128xf32, #tpu.memory_space<hbm>> -> memref<32x128xf32, #tpu.memory_space<hbm>>
    %dma_start3A_542 = arith.constant 0 : i32
    %dma_start3A_543 = tpu.memref_slice %arg4[%add3A_534, %dma_start3A_542] : memref<16384x128xf32, #tpu.memory_space<hbm>> -> memref<32x128xf32, #tpu.memory_space<hbm>>
    %dma_start3A_544 = arith.constant 0 : i32
    %dma_start3A_545 = arith.constant 0 : i32
    %dma_start3A_546 = tpu.memref_slice %arg6[%dma_start3A_535, %dma_start3A_544, %dma_start3A_545] : memref<16x32x128xf32, #tpu.memory_space<vmem>> -> memref<1x32x128xf32, #tpu.memory_space<vmem>>
    %dma_start3A_547 = tpu.memref_squeeze %dma_start3A_546 : memref<1x32x128xf32, #tpu.memory_space<vmem>> -> memref<32x128xf32, #tpu.memory_space<vmem>>
    tpu.enqueue_dma source(%dma_start3A_547 : memref<32x128xf32, #tpu.memory_space<vmem>>) target(%dma_start3A_543 : memref<32x128xf32, #tpu.memory_space<hbm>>) target_semaphore(%arg10 : memref<!tpu.dma_semaphore, #tpu.memory_space<semaphore_mem>>)
    %dma_wait3A_548 = arith.constant 13 : i32
    %dma_wait3A_549 = arith.constant 13 : i32
    %dma_wait3A_550 = arith.constant 0 : i32
    %dma_wait3A_551 = arith.constant 0 : i32
    %dma_wait3A_552 = tpu.memref_slice %arg6[%dma_wait3A_549, %dma_wait3A_550, %dma_wait3A_551] : memref<16x32x128xf32, #tpu.memory_space<vmem>> -> memref<1x32x128xf32, #tpu.memory_space<vmem>>
    %dma_wait3A_553 = tpu.memref_squeeze %dma_wait3A_552 : memref<1x32x128xf32, #tpu.memory_space<vmem>> -> memref<32x128xf32, #tpu.memory_space<vmem>>
    %dma_wait3A_554 = arith.constant 0 : i32
    %dma_wait3A_555 = tpu.memref_slice %arg5[%dma_wait3A_548, %dma_wait3A_554] : memref<16x32xi32, #tpu.memory_space<vmem>> -> memref<1x32xi32, #tpu.memory_space<vmem>>
    %dma_wait3A_556 = tpu.memref_squeeze %dma_wait3A_555 : memref<1x32xi32, #tpu.memory_space<vmem>> -> memref<32xi32, #tpu.memory_space<vmem>>
    %dma_wait3A_557 = arith.constant 0 : i32
    %dma_wait3A_558 = arith.constant 0 : i32
    %dma_wait3A_559 = tpu.memref_slice %arg7[%dma_wait3A_557, %dma_wait3A_558] : memref<1000x128xf32, #tpu.memory_space<vmem_shared>> -> memref<1000x128xf32, #tpu.memory_space<vmem_shared>>
    tpu.wait_indirect_dma semaphore(%arg9 : memref<!tpu.dma_semaphore, #tpu.memory_space<semaphore_mem>>) src(%dma_wait3A_559 : memref<1000x128xf32, #tpu.memory_space<vmem_shared>>) dst(%dma_wait3A_553 : memref<32x128xf32, #tpu.memory_space<vmem>>)
    %add3A_560 = arith.constant 416 : i32
    %add3A_561 = arith.addi %mul3A_2, %add3A_560 : i32
    %dma_start3A_562 = arith.constant 13 : i32
    %dma_start3A_563 = arith.constant 0 : i32
    %dma_start3A_564 = arith.constant 0 : i32
    %dma_start3A_565 = tpu.memref_slice %arg6[%dma_start3A_562, %dma_start3A_563, %dma_start3A_564] : memref<16x32x128xf32, #tpu.memory_space<vmem>> -> memref<1x32x128xf32, #tpu.memory_space<vmem>>
    %dma_start3A_566 = tpu.memref_squeeze %dma_start3A_565 : memref<1x32x128xf32, #tpu.memory_space<vmem>> -> memref<32x128xf32, #tpu.memory_space<vmem>>
    %dma_start3A_567 = arith.constant 0 : i32
    %dma_start3A_568 = tpu.memref_slice %arg4[%add3A_561, %dma_start3A_567] : memref<16384x128xf32, #tpu.memory_space<hbm>> -> memref<32x128xf32, #tpu.memory_space<hbm>>
    %dma_start3A_569 = arith.constant 0 : i32
    %dma_start3A_570 = tpu.memref_slice %arg4[%add3A_561, %dma_start3A_569] : memref<16384x128xf32, #tpu.memory_space<hbm>> -> memref<32x128xf32, #tpu.memory_space<hbm>>
    %dma_start3A_571 = arith.constant 0 : i32
    %dma_start3A_572 = arith.constant 0 : i32
    %dma_start3A_573 = tpu.memref_slice %arg6[%dma_start3A_562, %dma_start3A_571, %dma_start3A_572] : memref<16x32x128xf32, #tpu.memory_space<vmem>> -> memref<1x32x128xf32, #tpu.memory_space<vmem>>
    %dma_start3A_574 = tpu.memref_squeeze %dma_start3A_573 : memref<1x32x128xf32, #tpu.memory_space<vmem>> -> memref<32x128xf32, #tpu.memory_space<vmem>>
    tpu.enqueue_dma source(%dma_start3A_574 : memref<32x128xf32, #tpu.memory_space<vmem>>) target(%dma_start3A_570 : memref<32x128xf32, #tpu.memory_space<hbm>>) target_semaphore(%arg10 : memref<!tpu.dma_semaphore, #tpu.memory_space<semaphore_mem>>)
    %dma_wait3A_575 = arith.constant 14 : i32
    %dma_wait3A_576 = arith.constant 14 : i32
    %dma_wait3A_577 = arith.constant 0 : i32
    %dma_wait3A_578 = arith.constant 0 : i32
    %dma_wait3A_579 = tpu.memref_slice %arg6[%dma_wait3A_576, %dma_wait3A_577, %dma_wait3A_578] : memref<16x32x128xf32, #tpu.memory_space<vmem>> -> memref<1x32x128xf32, #tpu.memory_space<vmem>>
    %dma_wait3A_580 = tpu.memref_squeeze %dma_wait3A_579 : memref<1x32x128xf32, #tpu.memory_space<vmem>> -> memref<32x128xf32, #tpu.memory_space<vmem>>
    %dma_wait3A_581 = arith.constant 0 : i32
    %dma_wait3A_582 = tpu.memref_slice %arg5[%dma_wait3A_575, %dma_wait3A_581] : memref<16x32xi32, #tpu.memory_space<vmem>> -> memref<1x32xi32, #tpu.memory_space<vmem>>
    %dma_wait3A_583 = tpu.memref_squeeze %dma_wait3A_582 : memref<1x32xi32, #tpu.memory_space<vmem>> -> memref<32xi32, #tpu.memory_space<vmem>>
    %dma_wait3A_584 = arith.constant 0 : i32
    %dma_wait3A_585 = arith.constant 0 : i32
    %dma_wait3A_586 = tpu.memref_slice %arg7[%dma_wait3A_584, %dma_wait3A_585] : memref<1000x128xf32, #tpu.memory_space<vmem_shared>> -> memref<1000x128xf32, #tpu.memory_space<vmem_shared>>
    tpu.wait_indirect_dma semaphore(%arg9 : memref<!tpu.dma_semaphore, #tpu.memory_space<semaphore_mem>>) src(%dma_wait3A_586 : memref<1000x128xf32, #tpu.memory_space<vmem_shared>>) dst(%dma_wait3A_580 : memref<32x128xf32, #tpu.memory_space<vmem>>)
    %add3A_587 = arith.constant 448 : i32
    %add3A_588 = arith.addi %mul3A_2, %add3A_587 : i32
    %dma_start3A_589 = arith.constant 14 : i32
    %dma_start3A_590 = arith.constant 0 : i32
    %dma_start3A_591 = arith.constant 0 : i32
    %dma_start3A_592 = tpu.memref_slice %arg6[%dma_start3A_589, %dma_start3A_590, %dma_start3A_591] : memref<16x32x128xf32, #tpu.memory_space<vmem>> -> memref<1x32x128xf32, #tpu.memory_space<vmem>>
    %dma_start3A_593 = tpu.memref_squeeze %dma_start3A_592 : memref<1x32x128xf32, #tpu.memory_space<vmem>> -> memref<32x128xf32, #tpu.memory_space<vmem>>
    %dma_start3A_594 = arith.constant 0 : i32
    %dma_start3A_595 = tpu.memref_slice %arg4[%add3A_588, %dma_start3A_594] : memref<16384x128xf32, #tpu.memory_space<hbm>> -> memref<32x128xf32, #tpu.memory_space<hbm>>
    %dma_start3A_596 = arith.constant 0 : i32
    %dma_start3A_597 = tpu.memref_slice %arg4[%add3A_588, %dma_start3A_596] : memref<16384x128xf32, #tpu.memory_space<hbm>> -> memref<32x128xf32, #tpu.memory_space<hbm>>
    %dma_start3A_598 = arith.constant 0 : i32
    %dma_start3A_599 = arith.constant 0 : i32
    %dma_start3A_600 = tpu.memref_slice %arg6[%dma_start3A_589, %dma_start3A_598, %dma_start3A_599] : memref<16x32x128xf32, #tpu.memory_space<vmem>> -> memref<1x32x128xf32, #tpu.memory_space<vmem>>
    %dma_start3A_601 = tpu.memref_squeeze %dma_start3A_600 : memref<1x32x128xf32, #tpu.memory_space<vmem>> -> memref<32x128xf32, #tpu.memory_space<vmem>>
    tpu.enqueue_dma source(%dma_start3A_601 : memref<32x128xf32, #tpu.memory_space<vmem>>) target(%dma_start3A_597 : memref<32x128xf32, #tpu.memory_space<hbm>>) target_semaphore(%arg10 : memref<!tpu.dma_semaphore, #tpu.memory_space<semaphore_mem>>)
    %dma_wait3A_602 = arith.constant 15 : i32
    %dma_wait3A_603 = arith.constant 15 : i32
    %dma_wait3A_604 = arith.constant 0 : i32
    %dma_wait3A_605 = arith.constant 0 : i32
    %dma_wait3A_606 = tpu.memref_slice %arg6[%dma_wait3A_603, %dma_wait3A_604, %dma_wait3A_605] : memref<16x32x128xf32, #tpu.memory_space<vmem>> -> memref<1x32x128xf32, #tpu.memory_space<vmem>>
    %dma_wait3A_607 = tpu.memref_squeeze %dma_wait3A_606 : memref<1x32x128xf32, #tpu.memory_space<vmem>> -> memref<32x128xf32, #tpu.memory_space<vmem>>
    %dma_wait3A_608 = arith.constant 0 : i32
    %dma_wait3A_609 = tpu.memref_slice %arg5[%dma_wait3A_602, %dma_wait3A_608] : memref<16x32xi32, #tpu.memory_space<vmem>> -> memref<1x32xi32, #tpu.memory_space<vmem>>
    %dma_wait3A_610 = tpu.memref_squeeze %dma_wait3A_609 : memref<1x32xi32, #tpu.memory_space<vmem>> -> memref<32xi32, #tpu.memory_space<vmem>>
    %dma_wait3A_611 = arith.constant 0 : i32
    %dma_wait3A_612 = arith.constant 0 : i32
    %dma_wait3A_613 = tpu.memref_slice %arg7[%dma_wait3A_611, %dma_wait3A_612] : memref<1000x128xf32, #tpu.memory_space<vmem_shared>> -> memref<1000x128xf32, #tpu.memory_space<vmem_shared>>
    tpu.wait_indirect_dma semaphore(%arg9 : memref<!tpu.dma_semaphore, #tpu.memory_space<semaphore_mem>>) src(%dma_wait3A_613 : memref<1000x128xf32, #tpu.memory_space<vmem_shared>>) dst(%dma_wait3A_607 : memref<32x128xf32, #tpu.memory_space<vmem>>)
    %add3A_614 = arith.constant 480 : i32
    %add3A_615 = arith.addi %mul3A_2, %add3A_614 : i32
    %dma_start3A_616 = arith.constant 15 : i32
    %dma_start3A_617 = arith.constant 0 : i32
    %dma_start3A_618 = arith.constant 0 : i32
    %dma_start3A_619 = tpu.memref_slice %arg6[%dma_start3A_616, %dma_start3A_617, %dma_start3A_618] : memref<16x32x128xf32, #tpu.memory_space<vmem>> -> memref<1x32x128xf32, #tpu.memory_space<vmem>>
    %dma_start3A_620 = tpu.memref_squeeze %dma_start3A_619 : memref<1x32x128xf32, #tpu.memory_space<vmem>> -> memref<32x128xf32, #tpu.memory_space<vmem>>
    %dma_start3A_621 = arith.constant 0 : i32
    %dma_start3A_622 = tpu.memref_slice %arg4[%add3A_615, %dma_start3A_621] : memref<16384x128xf32, #tpu.memory_space<hbm>> -> memref<32x128xf32, #tpu.memory_space<hbm>>
    %dma_start3A_623 = arith.constant 0 : i32
    %dma_start3A_624 = tpu.memref_slice %arg4[%add3A_615, %dma_start3A_623] : memref<16384x128xf32, #tpu.memory_space<hbm>> -> memref<32x128xf32, #tpu.memory_space<hbm>>
    %dma_start3A_625 = arith.constant 0 : i32
    %dma_start3A_626 = arith.constant 0 : i32
    %dma_start3A_627 = tpu.memref_slice %arg6[%dma_start3A_616, %dma_start3A_625, %dma_start3A_626] : memref<16x32x128xf32, #tpu.memory_space<vmem>> -> memref<1x32x128xf32, #tpu.memory_space<vmem>>
    %dma_start3A_628 = tpu.memref_squeeze %dma_start3A_627 : memref<1x32x128xf32, #tpu.memory_space<vmem>> -> memref<32x128xf32, #tpu.memory_space<vmem>>
    tpu.enqueue_dma source(%dma_start3A_628 : memref<32x128xf32, #tpu.memory_space<vmem>>) target(%dma_start3A_624 : memref<32x128xf32, #tpu.memory_space<hbm>>) target_semaphore(%arg10 : memref<!tpu.dma_semaphore, #tpu.memory_space<semaphore_mem>>)
    %dma_wait3A_629 = arith.constant 0 : i32
    %dma_wait3A_630 = arith.constant 0 : i32
    %dma_wait3A_631 = arith.constant 0 : i32
    %dma_wait3A_632 = tpu.memref_slice %arg6[%dma_wait3A_629, %dma_wait3A_630, %dma_wait3A_631] : memref<16x32x128xf32, #tpu.memory_space<vmem>> -> memref<1x32x128xf32, #tpu.memory_space<vmem>>
    %dma_wait3A_633 = tpu.memref_squeeze %dma_wait3A_632 : memref<1x32x128xf32, #tpu.memory_space<vmem>> -> memref<32x128xf32, #tpu.memory_space<vmem>>
    %dma_wait3A_634 = arith.constant 0 : i32
    %dma_wait3A_635 = tpu.memref_slice %arg4[%mul3A_2, %dma_wait3A_634] : memref<16384x128xf32, #tpu.memory_space<hbm>> -> memref<32x128xf32, #tpu.memory_space<hbm>>
    %dma_wait3A_636 = arith.constant 0 : i32
    %dma_wait3A_637 = tpu.memref_slice %arg4[%mul3A_2, %dma_wait3A_636] : memref<16384x128xf32, #tpu.memory_space<hbm>> -> memref<32x128xf32, #tpu.memory_space<hbm>>
    %dma_wait3A_638 = arith.constant 0 : i32
    %dma_wait3A_639 = arith.constant 0 : i32
    %dma_wait3A_640 = tpu.memref_slice %arg6[%dma_wait3A_629, %dma_wait3A_638, %dma_wait3A_639] : memref<16x32x128xf32, #tpu.memory_space<vmem>> -> memref<1x32x128xf32, #tpu.memory_space<vmem>>
    %dma_wait3A_641 = tpu.memref_squeeze %dma_wait3A_640 : memref<1x32x128xf32, #tpu.memory_space<vmem>> -> memref<32x128xf32, #tpu.memory_space<vmem>>
    tpu.wait_dma2 semaphore(%arg10 : memref<!tpu.dma_semaphore, #tpu.memory_space<semaphore_mem>>) src(%dma_wait3A_641 : memref<32x128xf32, #tpu.memory_space<vmem>>) dst(%dma_wait3A_637 : memref<32x128xf32, #tpu.memory_space<hbm>>)
    %dma_wait3A_642 = arith.constant 1 : i32
    %dma_wait3A_643 = arith.constant 0 : i32
    %dma_wait3A_644 = arith.constant 0 : i32
    %dma_wait3A_645 = tpu.memref_slice %arg6[%dma_wait3A_642, %dma_wait3A_643, %dma_wait3A_644] : memref<16x32x128xf32, #tpu.memory_space<vmem>> -> memref<1x32x128xf32, #tpu.memory_space<vmem>>
    %dma_wait3A_646 = tpu.memref_squeeze %dma_wait3A_645 : memref<1x32x128xf32, #tpu.memory_space<vmem>> -> memref<32x128xf32, #tpu.memory_space<vmem>>
    %dma_wait3A_647 = arith.constant 0 : i32
    %dma_wait3A_648 = tpu.memref_slice %arg4[%add3A_237, %dma_wait3A_647] : memref<16384x128xf32, #tpu.memory_space<hbm>> -> memref<32x128xf32, #tpu.memory_space<hbm>>
    %dma_wait3A_649 = arith.constant 0 : i32
    %dma_wait3A_650 = tpu.memref_slice %arg4[%add3A_237, %dma_wait3A_649] : memref<16384x128xf32, #tpu.memory_space<hbm>> -> memref<32x128xf32, #tpu.memory_space<hbm>>
    %dma_wait3A_651 = arith.constant 0 : i32
    %dma_wait3A_652 = arith.constant 0 : i32
    %dma_wait3A_653 = tpu.memref_slice %arg6[%dma_wait3A_642, %dma_wait3A_651, %dma_wait3A_652] : memref<16x32x128xf32, #tpu.memory_space<vmem>> -> memref<1x32x128xf32, #tpu.memory_space<vmem>>
    %dma_wait3A_654 = tpu.memref_squeeze %dma_wait3A_653 : memref<1x32x128xf32, #tpu.memory_space<vmem>> -> memref<32x128xf32, #tpu.memory_space<vmem>>
    tpu.wait_dma2 semaphore(%arg10 : memref<!tpu.dma_semaphore, #tpu.memory_space<semaphore_mem>>) src(%dma_wait3A_654 : memref<32x128xf32, #tpu.memory_space<vmem>>) dst(%dma_wait3A_650 : memref<32x128xf32, #tpu.memory_space<hbm>>)
    %dma_wait3A_655 = arith.constant 2 : i32
    %dma_wait3A_656 = arith.constant 0 : i32
    %dma_wait3A_657 = arith.constant 0 : i32
    %dma_wait3A_658 = tpu.memref_slice %arg6[%dma_wait3A_655, %dma_wait3A_656, %dma_wait3A_657] : memref<16x32x128xf32, #tpu.memory_space<vmem>> -> memref<1x32x128xf32, #tpu.memory_space<vmem>>
    %dma_wait3A_659 = tpu.memref_squeeze %dma_wait3A_658 : memref<1x32x128xf32, #tpu.memory_space<vmem>> -> memref<32x128xf32, #tpu.memory_space<vmem>>
    %dma_wait3A_660 = arith.constant 0 : i32
    %dma_wait3A_661 = tpu.memref_slice %arg4[%add3A_264, %dma_wait3A_660] : memref<16384x128xf32, #tpu.memory_space<hbm>> -> memref<32x128xf32, #tpu.memory_space<hbm>>
    %dma_wait3A_662 = arith.constant 0 : i32
    %dma_wait3A_663 = tpu.memref_slice %arg4[%add3A_264, %dma_wait3A_662] : memref<16384x128xf32, #tpu.memory_space<hbm>> -> memref<32x128xf32, #tpu.memory_space<hbm>>
    %dma_wait3A_664 = arith.constant 0 : i32
    %dma_wait3A_665 = arith.constant 0 : i32
    %dma_wait3A_666 = tpu.memref_slice %arg6[%dma_wait3A_655, %dma_wait3A_664, %dma_wait3A_665] : memref<16x32x128xf32, #tpu.memory_space<vmem>> -> memref<1x32x128xf32, #tpu.memory_space<vmem>>
    %dma_wait3A_667 = tpu.memref_squeeze %dma_wait3A_666 : memref<1x32x128xf32, #tpu.memory_space<vmem>> -> memref<32x128xf32, #tpu.memory_space<vmem>>
    tpu.wait_dma2 semaphore(%arg10 : memref<!tpu.dma_semaphore, #tpu.memory_space<semaphore_mem>>) src(%dma_wait3A_667 : memref<32x128xf32, #tpu.memory_space<vmem>>) dst(%dma_wait3A_663 : memref<32x128xf32, #tpu.memory_space<hbm>>)
    %dma_wait3A_668 = arith.constant 3 : i32
    %dma_wait3A_669 = arith.constant 0 : i32
    %dma_wait3A_670 = arith.constant 0 : i32
    %dma_wait3A_671 = tpu.memref_slice %arg6[%dma_wait3A_668, %dma_wait3A_669, %dma_wait3A_670] : memref<16x32x128xf32, #tpu.memory_space<vmem>> -> memref<1x32x128xf32, #tpu.memory_space<vmem>>
    %dma_wait3A_672 = tpu.memref_squeeze %dma_wait3A_671 : memref<1x32x128xf32, #tpu.memory_space<vmem>> -> memref<32x128xf32, #tpu.memory_space<vmem>>
    %dma_wait3A_673 = arith.constant 0 : i32
    %dma_wait3A_674 = tpu.memref_slice %arg4[%add3A_291, %dma_wait3A_673] : memref<16384x128xf32, #tpu.memory_space<hbm>> -> memref<32x128xf32, #tpu.memory_space<hbm>>
    %dma_wait3A_675 = arith.constant 0 : i32
    %dma_wait3A_676 = tpu.memref_slice %arg4[%add3A_291, %dma_wait3A_675] : memref<16384x128xf32, #tpu.memory_space<hbm>> -> memref<32x128xf32, #tpu.memory_space<hbm>>
    %dma_wait3A_677 = arith.constant 0 : i32
    %dma_wait3A_678 = arith.constant 0 : i32
    %dma_wait3A_679 = tpu.memref_slice %arg6[%dma_wait3A_668, %dma_wait3A_677, %dma_wait3A_678] : memref<16x32x128xf32, #tpu.memory_space<vmem>> -> memref<1x32x128xf32, #tpu.memory_space<vmem>>
    %dma_wait3A_680 = tpu.memref_squeeze %dma_wait3A_679 : memref<1x32x128xf32, #tpu.memory_space<vmem>> -> memref<32x128xf32, #tpu.memory_space<vmem>>
    tpu.wait_dma2 semaphore(%arg10 : memref<!tpu.dma_semaphore, #tpu.memory_space<semaphore_mem>>) src(%dma_wait3A_680 : memref<32x128xf32, #tpu.memory_space<vmem>>) dst(%dma_wait3A_676 : memref<32x128xf32, #tpu.memory_space<hbm>>)
    %dma_wait3A_681 = arith.constant 4 : i32
    %dma_wait3A_682 = arith.constant 0 : i32
    %dma_wait3A_683 = arith.constant 0 : i32
    %dma_wait3A_684 = tpu.memref_slice %arg6[%dma_wait3A_681, %dma_wait3A_682, %dma_wait3A_683] : memref<16x32x128xf32, #tpu.memory_space<vmem>> -> memref<1x32x128xf32, #tpu.memory_space<vmem>>
    %dma_wait3A_685 = tpu.memref_squeeze %dma_wait3A_684 : memref<1x32x128xf32, #tpu.memory_space<vmem>> -> memref<32x128xf32, #tpu.memory_space<vmem>>
    %dma_wait3A_686 = arith.constant 0 : i32
    %dma_wait3A_687 = tpu.memref_slice %arg4[%add3A_318, %dma_wait3A_686] : memref<16384x128xf32, #tpu.memory_space<hbm>> -> memref<32x128xf32, #tpu.memory_space<hbm>>
    %dma_wait3A_688 = arith.constant 0 : i32
    %dma_wait3A_689 = tpu.memref_slice %arg4[%add3A_318, %dma_wait3A_688] : memref<16384x128xf32, #tpu.memory_space<hbm>> -> memref<32x128xf32, #tpu.memory_space<hbm>>
    %dma_wait3A_690 = arith.constant 0 : i32
    %dma_wait3A_691 = arith.constant 0 : i32
    %dma_wait3A_692 = tpu.memref_slice %arg6[%dma_wait3A_681, %dma_wait3A_690, %dma_wait3A_691] : memref<16x32x128xf32, #tpu.memory_space<vmem>> -> memref<1x32x128xf32, #tpu.memory_space<vmem>>
    %dma_wait3A_693 = tpu.memref_squeeze %dma_wait3A_692 : memref<1x32x128xf32, #tpu.memory_space<vmem>> -> memref<32x128xf32, #tpu.memory_space<vmem>>
    tpu.wait_dma2 semaphore(%arg10 : memref<!tpu.dma_semaphore, #tpu.memory_space<semaphore_mem>>) src(%dma_wait3A_693 : memref<32x128xf32, #tpu.memory_space<vmem>>) dst(%dma_wait3A_689 : memref<32x128xf32, #tpu.memory_space<hbm>>)
    %dma_wait3A_694 = arith.constant 5 : i32
    %dma_wait3A_695 = arith.constant 0 : i32
    %dma_wait3A_696 = arith.constant 0 : i32
    %dma_wait3A_697 = tpu.memref_slice %arg6[%dma_wait3A_694, %dma_wait3A_695, %dma_wait3A_696] : memref<16x32x128xf32, #tpu.memory_space<vmem>> -> memref<1x32x128xf32, #tpu.memory_space<vmem>>
    %dma_wait3A_698 = tpu.memref_squeeze %dma_wait3A_697 : memref<1x32x128xf32, #tpu.memory_space<vmem>> -> memref<32x128xf32, #tpu.memory_space<vmem>>
    %dma_wait3A_699 = arith.constant 0 : i32
    %dma_wait3A_700 = tpu.memref_slice %arg4[%add3A_345, %dma_wait3A_699] : memref<16384x128xf32, #tpu.memory_space<hbm>> -> memref<32x128xf32, #tpu.memory_space<hbm>>
    %dma_wait3A_701 = arith.constant 0 : i32
    %dma_wait3A_702 = tpu.memref_slice %arg4[%add3A_345, %dma_wait3A_701] : memref<16384x128xf32, #tpu.memory_space<hbm>> -> memref<32x128xf32, #tpu.memory_space<hbm>>
    %dma_wait3A_703 = arith.constant 0 : i32
    %dma_wait3A_704 = arith.constant 0 : i32
    %dma_wait3A_705 = tpu.memref_slice %arg6[%dma_wait3A_694, %dma_wait3A_703, %dma_wait3A_704] : memref<16x32x128xf32, #tpu.memory_space<vmem>> -> memref<1x32x128xf32, #tpu.memory_space<vmem>>
    %dma_wait3A_706 = tpu.memref_squeeze %dma_wait3A_705 : memref<1x32x128xf32, #tpu.memory_space<vmem>> -> memref<32x128xf32, #tpu.memory_space<vmem>>
    tpu.wait_dma2 semaphore(%arg10 : memref<!tpu.dma_semaphore, #tpu.memory_space<semaphore_mem>>) src(%dma_wait3A_706 : memref<32x128xf32, #tpu.memory_space<vmem>>) dst(%dma_wait3A_702 : memref<32x128xf32, #tpu.memory_space<hbm>>)
    %dma_wait3A_707 = arith.constant 6 : i32
    %dma_wait3A_708 = arith.constant 0 : i32
    %dma_wait3A_709 = arith.constant 0 : i32
    %dma_wait3A_710 = tpu.memref_slice %arg6[%dma_wait3A_707, %dma_wait3A_708, %dma_wait3A_709] : memref<16x32x128xf32, #tpu.memory_space<vmem>> -> memref<1x32x128xf32, #tpu.memory_space<vmem>>
    %dma_wait3A_711 = tpu.memref_squeeze %dma_wait3A_710 : memref<1x32x128xf32, #tpu.memory_space<vmem>> -> memref<32x128xf32, #tpu.memory_space<vmem>>
    %dma_wait3A_712 = arith.constant 0 : i32
    %dma_wait3A_713 = tpu.memref_slice %arg4[%add3A_372, %dma_wait3A_712] : memref<16384x128xf32, #tpu.memory_space<hbm>> -> memref<32x128xf32, #tpu.memory_space<hbm>>
    %dma_wait3A_714 = arith.constant 0 : i32
    %dma_wait3A_715 = tpu.memref_slice %arg4[%add3A_372, %dma_wait3A_714] : memref<16384x128xf32, #tpu.memory_space<hbm>> -> memref<32x128xf32, #tpu.memory_space<hbm>>
    %dma_wait3A_716 = arith.constant 0 : i32
    %dma_wait3A_717 = arith.constant 0 : i32
    %dma_wait3A_718 = tpu.memref_slice %arg6[%dma_wait3A_707, %dma_wait3A_716, %dma_wait3A_717] : memref<16x32x128xf32, #tpu.memory_space<vmem>> -> memref<1x32x128xf32, #tpu.memory_space<vmem>>
    %dma_wait3A_719 = tpu.memref_squeeze %dma_wait3A_718 : memref<1x32x128xf32, #tpu.memory_space<vmem>> -> memref<32x128xf32, #tpu.memory_space<vmem>>
    tpu.wait_dma2 semaphore(%arg10 : memref<!tpu.dma_semaphore, #tpu.memory_space<semaphore_mem>>) src(%dma_wait3A_719 : memref<32x128xf32, #tpu.memory_space<vmem>>) dst(%dma_wait3A_715 : memref<32x128xf32, #tpu.memory_space<hbm>>)
    %dma_wait3A_720 = arith.constant 7 : i32
    %dma_wait3A_721 = arith.constant 0 : i32
    %dma_wait3A_722 = arith.constant 0 : i32
    %dma_wait3A_723 = tpu.memref_slice %arg6[%dma_wait3A_720, %dma_wait3A_721, %dma_wait3A_722] : memref<16x32x128xf32, #tpu.memory_space<vmem>> -> memref<1x32x128xf32, #tpu.memory_space<vmem>>
    %dma_wait3A_724 = tpu.memref_squeeze %dma_wait3A_723 : memref<1x32x128xf32, #tpu.memory_space<vmem>> -> memref<32x128xf32, #tpu.memory_space<vmem>>
    %dma_wait3A_725 = arith.constant 0 : i32
    %dma_wait3A_726 = tpu.memref_slice %arg4[%add3A_399, %dma_wait3A_725] : memref<16384x128xf32, #tpu.memory_space<hbm>> -> memref<32x128xf32, #tpu.memory_space<hbm>>
    %dma_wait3A_727 = arith.constant 0 : i32
    %dma_wait3A_728 = tpu.memref_slice %arg4[%add3A_399, %dma_wait3A_727] : memref<16384x128xf32, #tpu.memory_space<hbm>> -> memref<32x128xf32, #tpu.memory_space<hbm>>
    %dma_wait3A_729 = arith.constant 0 : i32
    %dma_wait3A_730 = arith.constant 0 : i32
    %dma_wait3A_731 = tpu.memref_slice %arg6[%dma_wait3A_720, %dma_wait3A_729, %dma_wait3A_730] : memref<16x32x128xf32, #tpu.memory_space<vmem>> -> memref<1x32x128xf32, #tpu.memory_space<vmem>>
    %dma_wait3A_732 = tpu.memref_squeeze %dma_wait3A_731 : memref<1x32x128xf32, #tpu.memory_space<vmem>> -> memref<32x128xf32, #tpu.memory_space<vmem>>
    tpu.wait_dma2 semaphore(%arg10 : memref<!tpu.dma_semaphore, #tpu.memory_space<semaphore_mem>>) src(%dma_wait3A_732 : memref<32x128xf32, #tpu.memory_space<vmem>>) dst(%dma_wait3A_728 : memref<32x128xf32, #tpu.memory_space<hbm>>)
    %dma_wait3A_733 = arith.constant 8 : i32
    %dma_wait3A_734 = arith.constant 0 : i32
    %dma_wait3A_735 = arith.constant 0 : i32
    %dma_wait3A_736 = tpu.memref_slice %arg6[%dma_wait3A_733, %dma_wait3A_734, %dma_wait3A_735] : memref<16x32x128xf32, #tpu.memory_space<vmem>> -> memref<1x32x128xf32, #tpu.memory_space<vmem>>
    %dma_wait3A_737 = tpu.memref_squeeze %dma_wait3A_736 : memref<1x32x128xf32, #tpu.memory_space<vmem>> -> memref<32x128xf32, #tpu.memory_space<vmem>>
    %dma_wait3A_738 = arith.constant 0 : i32
    %dma_wait3A_739 = tpu.memref_slice %arg4[%add3A_426, %dma_wait3A_738] : memref<16384x128xf32, #tpu.memory_space<hbm>> -> memref<32x128xf32, #tpu.memory_space<hbm>>
    %dma_wait3A_740 = arith.constant 0 : i32
    %dma_wait3A_741 = tpu.memref_slice %arg4[%add3A_426, %dma_wait3A_740] : memref<16384x128xf32, #tpu.memory_space<hbm>> -> memref<32x128xf32, #tpu.memory_space<hbm>>
    %dma_wait3A_742 = arith.constant 0 : i32
    %dma_wait3A_743 = arith.constant 0 : i32
    %dma_wait3A_744 = tpu.memref_slice %arg6[%dma_wait3A_733, %dma_wait3A_742, %dma_wait3A_743] : memref<16x32x128xf32, #tpu.memory_space<vmem>> -> memref<1x32x128xf32, #tpu.memory_space<vmem>>
    %dma_wait3A_745 = tpu.memref_squeeze %dma_wait3A_744 : memref<1x32x128xf32, #tpu.memory_space<vmem>> -> memref<32x128xf32, #tpu.memory_space<vmem>>
    tpu.wait_dma2 semaphore(%arg10 : memref<!tpu.dma_semaphore, #tpu.memory_space<semaphore_mem>>) src(%dma_wait3A_745 : memref<32x128xf32, #tpu.memory_space<vmem>>) dst(%dma_wait3A_741 : memref<32x128xf32, #tpu.memory_space<hbm>>)
    %dma_wait3A_746 = arith.constant 9 : i32
    %dma_wait3A_747 = arith.constant 0 : i32
    %dma_wait3A_748 = arith.constant 0 : i32
    %dma_wait3A_749 = tpu.memref_slice %arg6[%dma_wait3A_746, %dma_wait3A_747, %dma_wait3A_748] : memref<16x32x128xf32, #tpu.memory_space<vmem>> -> memref<1x32x128xf32, #tpu.memory_space<vmem>>
    %dma_wait3A_750 = tpu.memref_squeeze %dma_wait3A_749 : memref<1x32x128xf32, #tpu.memory_space<vmem>> -> memref<32x128xf32, #tpu.memory_space<vmem>>
    %dma_wait3A_751 = arith.constant 0 : i32
    %dma_wait3A_752 = tpu.memref_slice %arg4[%add3A_453, %dma_wait3A_751] : memref<16384x128xf32, #tpu.memory_space<hbm>> -> memref<32x128xf32, #tpu.memory_space<hbm>>
    %dma_wait3A_753 = arith.constant 0 : i32
    %dma_wait3A_754 = tpu.memref_slice %arg4[%add3A_453, %dma_wait3A_753] : memref<16384x128xf32, #tpu.memory_space<hbm>> -> memref<32x128xf32, #tpu.memory_space<hbm>>
    %dma_wait3A_755 = arith.constant 0 : i32
    %dma_wait3A_756 = arith.constant 0 : i32
    %dma_wait3A_757 = tpu.memref_slice %arg6[%dma_wait3A_746, %dma_wait3A_755, %dma_wait3A_756] : memref<16x32x128xf32, #tpu.memory_space<vmem>> -> memref<1x32x128xf32, #tpu.memory_space<vmem>>
    %dma_wait3A_758 = tpu.memref_squeeze %dma_wait3A_757 : memref<1x32x128xf32, #tpu.memory_space<vmem>> -> memref<32x128xf32, #tpu.memory_space<vmem>>
    tpu.wait_dma2 semaphore(%arg10 : memref<!tpu.dma_semaphore, #tpu.memory_space<semaphore_mem>>) src(%dma_wait3A_758 : memref<32x128xf32, #tpu.memory_space<vmem>>) dst(%dma_wait3A_754 : memref<32x128xf32, #tpu.memory_space<hbm>>)
    %dma_wait3A_759 = arith.constant 10 : i32
    %dma_wait3A_760 = arith.constant 0 : i32
    %dma_wait3A_761 = arith.constant 0 : i32
    %dma_wait3A_762 = tpu.memref_slice %arg6[%dma_wait3A_759, %dma_wait3A_760, %dma_wait3A_761] : memref<16x32x128xf32, #tpu.memory_space<vmem>> -> memref<1x32x128xf32, #tpu.memory_space<vmem>>
    %dma_wait3A_763 = tpu.memref_squeeze %dma_wait3A_762 : memref<1x32x128xf32, #tpu.memory_space<vmem>> -> memref<32x128xf32, #tpu.memory_space<vmem>>
    %dma_wait3A_764 = arith.constant 0 : i32
    %dma_wait3A_765 = tpu.memref_slice %arg4[%add3A_480, %dma_wait3A_764] : memref<16384x128xf32, #tpu.memory_space<hbm>> -> memref<32x128xf32, #tpu.memory_space<hbm>>
    %dma_wait3A_766 = arith.constant 0 : i32
    %dma_wait3A_767 = tpu.memref_slice %arg4[%add3A_480, %dma_wait3A_766] : memref<16384x128xf32, #tpu.memory_space<hbm>> -> memref<32x128xf32, #tpu.memory_space<hbm>>
    %dma_wait3A_768 = arith.constant 0 : i32
    %dma_wait3A_769 = arith.constant 0 : i32
    %dma_wait3A_770 = tpu.memref_slice %arg6[%dma_wait3A_759, %dma_wait3A_768, %dma_wait3A_769] : memref<16x32x128xf32, #tpu.memory_space<vmem>> -> memref<1x32x128xf32, #tpu.memory_space<vmem>>
    %dma_wait3A_771 = tpu.memref_squeeze %dma_wait3A_770 : memref<1x32x128xf32, #tpu.memory_space<vmem>> -> memref<32x128xf32, #tpu.memory_space<vmem>>
    tpu.wait_dma2 semaphore(%arg10 : memref<!tpu.dma_semaphore, #tpu.memory_space<semaphore_mem>>) src(%dma_wait3A_771 : memref<32x128xf32, #tpu.memory_space<vmem>>) dst(%dma_wait3A_767 : memref<32x128xf32, #tpu.memory_space<hbm>>)
    %dma_wait3A_772 = arith.constant 11 : i32
    %dma_wait3A_773 = arith.constant 0 : i32
    %dma_wait3A_774 = arith.constant 0 : i32
    %dma_wait3A_775 = tpu.memref_slice %arg6[%dma_wait3A_772, %dma_wait3A_773, %dma_wait3A_774] : memref<16x32x128xf32, #tpu.memory_space<vmem>> -> memref<1x32x128xf32, #tpu.memory_space<vmem>>
    %dma_wait3A_776 = tpu.memref_squeeze %dma_wait3A_775 : memref<1x32x128xf32, #tpu.memory_space<vmem>> -> memref<32x128xf32, #tpu.memory_space<vmem>>
    %dma_wait3A_777 = arith.constant 0 : i32
    %dma_wait3A_778 = tpu.memref_slice %arg4[%add3A_507, %dma_wait3A_777] : memref<16384x128xf32, #tpu.memory_space<hbm>> -> memref<32x128xf32, #tpu.memory_space<hbm>>
    %dma_wait3A_779 = arith.constant 0 : i32
    %dma_wait3A_780 = tpu.memref_slice %arg4[%add3A_507, %dma_wait3A_779] : memref<16384x128xf32, #tpu.memory_space<hbm>> -> memref<32x128xf32, #tpu.memory_space<hbm>>
    %dma_wait3A_781 = arith.constant 0 : i32
    %dma_wait3A_782 = arith.constant 0 : i32
    %dma_wait3A_783 = tpu.memref_slice %arg6[%dma_wait3A_772, %dma_wait3A_781, %dma_wait3A_782] : memref<16x32x128xf32, #tpu.memory_space<vmem>> -> memref<1x32x128xf32, #tpu.memory_space<vmem>>
    %dma_wait3A_784 = tpu.memref_squeeze %dma_wait3A_783 : memref<1x32x128xf32, #tpu.memory_space<vmem>> -> memref<32x128xf32, #tpu.memory_space<vmem>>
    tpu.wait_dma2 semaphore(%arg10 : memref<!tpu.dma_semaphore, #tpu.memory_space<semaphore_mem>>) src(%dma_wait3A_784 : memref<32x128xf32, #tpu.memory_space<vmem>>) dst(%dma_wait3A_780 : memref<32x128xf32, #tpu.memory_space<hbm>>)
    %dma_wait3A_785 = arith.constant 12 : i32
    %dma_wait3A_786 = arith.constant 0 : i32
    %dma_wait3A_787 = arith.constant 0 : i32
    %dma_wait3A_788 = tpu.memref_slice %arg6[%dma_wait3A_785, %dma_wait3A_786, %dma_wait3A_787] : memref<16x32x128xf32, #tpu.memory_space<vmem>> -> memref<1x32x128xf32, #tpu.memory_space<vmem>>
    %dma_wait3A_789 = tpu.memref_squeeze %dma_wait3A_788 : memref<1x32x128xf32, #tpu.memory_space<vmem>> -> memref<32x128xf32, #tpu.memory_space<vmem>>
    %dma_wait3A_790 = arith.constant 0 : i32
    %dma_wait3A_791 = tpu.memref_slice %arg4[%add3A_534, %dma_wait3A_790] : memref<16384x128xf32, #tpu.memory_space<hbm>> -> memref<32x128xf32, #tpu.memory_space<hbm>>
    %dma_wait3A_792 = arith.constant 0 : i32
    %dma_wait3A_793 = tpu.memref_slice %arg4[%add3A_534, %dma_wait3A_792] : memref<16384x128xf32, #tpu.memory_space<hbm>> -> memref<32x128xf32, #tpu.memory_space<hbm>>
    %dma_wait3A_794 = arith.constant 0 : i32
    %dma_wait3A_795 = arith.constant 0 : i32
    %dma_wait3A_796 = tpu.memref_slice %arg6[%dma_wait3A_785, %dma_wait3A_794, %dma_wait3A_795] : memref<16x32x128xf32, #tpu.memory_space<vmem>> -> memref<1x32x128xf32, #tpu.memory_space<vmem>>
    %dma_wait3A_797 = tpu.memref_squeeze %dma_wait3A_796 : memref<1x32x128xf32, #tpu.memory_space<vmem>> -> memref<32x128xf32, #tpu.memory_space<vmem>>
    tpu.wait_dma2 semaphore(%arg10 : memref<!tpu.dma_semaphore, #tpu.memory_space<semaphore_mem>>) src(%dma_wait3A_797 : memref<32x128xf32, #tpu.memory_space<vmem>>) dst(%dma_wait3A_793 : memref<32x128xf32, #tpu.memory_space<hbm>>)
    %dma_wait3A_798 = arith.constant 13 : i32
    %dma_wait3A_799 = arith.constant 0 : i32
    %dma_wait3A_800 = arith.constant 0 : i32
    %dma_wait3A_801 = tpu.memref_slice %arg6[%dma_wait3A_798, %dma_wait3A_799, %dma_wait3A_800] : memref<16x32x128xf32, #tpu.memory_space<vmem>> -> memref<1x32x128xf32, #tpu.memory_space<vmem>>
    %dma_wait3A_802 = tpu.memref_squeeze %dma_wait3A_801 : memref<1x32x128xf32, #tpu.memory_space<vmem>> -> memref<32x128xf32, #tpu.memory_space<vmem>>
    %dma_wait3A_803 = arith.constant 0 : i32
    %dma_wait3A_804 = tpu.memref_slice %arg4[%add3A_561, %dma_wait3A_803] : memref<16384x128xf32, #tpu.memory_space<hbm>> -> memref<32x128xf32, #tpu.memory_space<hbm>>
    %dma_wait3A_805 = arith.constant 0 : i32
    %dma_wait3A_806 = tpu.memref_slice %arg4[%add3A_561, %dma_wait3A_805] : memref<16384x128xf32, #tpu.memory_space<hbm>> -> memref<32x128xf32, #tpu.memory_space<hbm>>
    %dma_wait3A_807 = arith.constant 0 : i32
    %dma_wait3A_808 = arith.constant 0 : i32
    %dma_wait3A_809 = tpu.memref_slice %arg6[%dma_wait3A_798, %dma_wait3A_807, %dma_wait3A_808] : memref<16x32x128xf32, #tpu.memory_space<vmem>> -> memref<1x32x128xf32, #tpu.memory_space<vmem>>
    %dma_wait3A_810 = tpu.memref_squeeze %dma_wait3A_809 : memref<1x32x128xf32, #tpu.memory_space<vmem>> -> memref<32x128xf32, #tpu.memory_space<vmem>>
    tpu.wait_dma2 semaphore(%arg10 : memref<!tpu.dma_semaphore, #tpu.memory_space<semaphore_mem>>) src(%dma_wait3A_810 : memref<32x128xf32, #tpu.memory_space<vmem>>) dst(%dma_wait3A_806 : memref<32x128xf32, #tpu.memory_space<hbm>>)
    %dma_wait3A_811 = arith.constant 14 : i32
    %dma_wait3A_812 = arith.constant 0 : i32
    %dma_wait3A_813 = arith.constant 0 : i32
    %dma_wait3A_814 = tpu.memref_slice %arg6[%dma_wait3A_811, %dma_wait3A_812, %dma_wait3A_813] : memref<16x32x128xf32, #tpu.memory_space<vmem>> -> memref<1x32x128xf32, #tpu.memory_space<vmem>>
    %dma_wait3A_815 = tpu.memref_squeeze %dma_wait3A_814 : memref<1x32x128xf32, #tpu.memory_space<vmem>> -> memref<32x128xf32, #tpu.memory_space<vmem>>
    %dma_wait3A_816 = arith.constant 0 : i32
    %dma_wait3A_817 = tpu.memref_slice %arg4[%add3A_588, %dma_wait3A_816] : memref<16384x128xf32, #tpu.memory_space<hbm>> -> memref<32x128xf32, #tpu.memory_space<hbm>>
    %dma_wait3A_818 = arith.constant 0 : i32
    %dma_wait3A_819 = tpu.memref_slice %arg4[%add3A_588, %dma_wait3A_818] : memref<16384x128xf32, #tpu.memory_space<hbm>> -> memref<32x128xf32, #tpu.memory_space<hbm>>
    %dma_wait3A_820 = arith.constant 0 : i32
    %dma_wait3A_821 = arith.constant 0 : i32
    %dma_wait3A_822 = tpu.memref_slice %arg6[%dma_wait3A_811, %dma_wait3A_820, %dma_wait3A_821] : memref<16x32x128xf32, #tpu.memory_space<vmem>> -> memref<1x32x128xf32, #tpu.memory_space<vmem>>
    %dma_wait3A_823 = tpu.memref_squeeze %dma_wait3A_822 : memref<1x32x128xf32, #tpu.memory_space<vmem>> -> memref<32x128xf32, #tpu.memory_space<vmem>>
    tpu.wait_dma2 semaphore(%arg10 : memref<!tpu.dma_semaphore, #tpu.memory_space<semaphore_mem>>) src(%dma_wait3A_823 : memref<32x128xf32, #tpu.memory_space<vmem>>) dst(%dma_wait3A_819 : memref<32x128xf32, #tpu.memory_space<hbm>>)
    %dma_wait3A_824 = arith.constant 15 : i32
    %dma_wait3A_825 = arith.constant 0 : i32
    %dma_wait3A_826 = arith.constant 0 : i32
    %dma_wait3A_827 = tpu.memref_slice %arg6[%dma_wait3A_824, %dma_wait3A_825, %dma_wait3A_826] : memref<16x32x128xf32, #tpu.memory_space<vmem>> -> memref<1x32x128xf32, #tpu.memory_space<vmem>>
    %dma_wait3A_828 = tpu.memref_squeeze %dma_wait3A_827 : memref<1x32x128xf32, #tpu.memory_space<vmem>> -> memref<32x128xf32, #tpu.memory_space<vmem>>
    %dma_wait3A_829 = arith.constant 0 : i32
    %dma_wait3A_830 = tpu.memref_slice %arg4[%add3A_615, %dma_wait3A_829] : memref<16384x128xf32, #tpu.memory_space<hbm>> -> memref<32x128xf32, #tpu.memory_space<hbm>>
    %dma_wait3A_831 = arith.constant 0 : i32
    %dma_wait3A_832 = tpu.memref_slice %arg4[%add3A_615, %dma_wait3A_831] : memref<16384x128xf32, #tpu.memory_space<hbm>> -> memref<32x128xf32, #tpu.memory_space<hbm>>
    %dma_wait3A_833 = arith.constant 0 : i32
    %dma_wait3A_834 = arith.constant 0 : i32
    %dma_wait3A_835 = tpu.memref_slice %arg6[%dma_wait3A_824, %dma_wait3A_833, %dma_wait3A_834] : memref<16x32x128xf32, #tpu.memory_space<vmem>> -> memref<1x32x128xf32, #tpu.memory_space<vmem>>
    %dma_wait3A_836 = tpu.memref_squeeze %dma_wait3A_835 : memref<1x32x128xf32, #tpu.memory_space<vmem>> -> memref<32x128xf32, #tpu.memory_space<vmem>>
    tpu.wait_dma2 semaphore(%arg10 : memref<!tpu.dma_semaphore, #tpu.memory_space<semaphore_mem>>) src(%dma_wait3A_836 : memref<32x128xf32, #tpu.memory_space<vmem>>) dst(%dma_wait3A_832 : memref<32x128xf32, #tpu.memory_space<hbm>>)
    return
  }
}

</mosaic_0001>

<sc_bundles>
// kernel: kernel.3.cloned.1.call-start
scs
__scs_entry_jumppad:
0x0: {  	(pc) =	sbr.rel $0x88, $3  }
0x1: {  	(tag) =	ssettag $0x0;
	lr =	simm.s32 $0x1  }
0x2: {  	[smem:$0x3F9F] =	sst lr;
	_ =	strace $0xD0000000  }
0x3: {  	_ = 	snop  }
0x4: {  	_ = 	snop  }
0x5: {  	_ = 	snop  }
0x6: {  	_ = 	snop  }
0x7: {  	_ = 	snop  }
__scs_overlays_trampoline_lowered:
0x8: {  	[smem:$0x3FAE] =	sst s0  }
0x9: {  	[smem:$0x3FAF] =	sst s1  }
0xa: {  	[smem:$0x3FB0] =	sst s2  }
0xb: {  	[smem:$0x3FB1] =	sst s3  }
0xc: {  	[smem:$0x3FB2] =	sst s4  }
0xd: {  	[smem:$0x3FB3] =	sst s5  }
0xe: {  	[smem:$0x3FB4] =	sst s6  }
0xf: {  	[smem:$0x3FB5] =	sst s7  }
0x10: {  	[smem:$0x3FB6] =	sst s8  }
0x11: {  	[smem:$0x3FB7] =	sst s9;
	s0 =	simm.s32 @!p0 $0x0  }
0x12: {  	s1 =	sld [smem:$0x3F9D];
	s0 =	simm.s32 @p0 $0x1  }
0x13: {  	[smem:$0x3FB8] =	sst s0;
	s0 =	simm.s32 @!p1 $0x0  }
0x14: {  	s2 =	sld [smem:$0x3F9C];
	s0 =	simm.s32 @p1 $0x1  }
0x15: {  	[smem:$0x3FB9] =	sst s0;
	s0 =	simm.s32 @!p2 $0x0  }
0x16: {  	s3 =	sld [smem:$0x3FDB];
	s0 =	simm.s32 @p2 $0x1  }
0x17: {  	s4 =	simm.s32 $0x1BF5;
	[smem:$0x3FBB] =	sst s0  }
0x18: {  	s0 =	sld [smem:$0x3F9E];
	_ =	swait.ge [sflag:s4], $0x0  }
0x19: {  	s7 =	sld [smem:$0x3F9F]  }
0x1a: {  	s8 =	sadd.s32 $0xFFFFE003, lr  }
0x1b: {  	s9 =	sadd.s32 $0xFFFFFEF7, lr;
	s5 =	simm.s32 $0xFFFFFFFF;
	p2 =	slt.u32 s8, $0xFFFFF086  }
0x1c: {  	p1 =	slt.u32 s9, $0xF7A;
	s5 =	simm.s32 @!p2 $0x0  }
0x1d: {  	s5 =	simm.s32 @p1 $0x1;
	p0 =	seq.s32 s7, s2  }
0x1e: {  	s7 =	smul.u32 @!p0 $0xF7A, s2;
	p2 =	seq.s32 @!p0 s5, $0x0  }
0x1f: {  	s9 =	smul.u32 $0xF7A, s1;
	s8 =	simm.s32 @!p0 $0x1BF5;
	p2 =	por !p2, p0  }
0x20: {  	[sflag:s8] =	ssyncset.s32 @!p0 $0xFFFFF086;
	s6 =	sadd.s32 @!p0 s3, s7;
	s7 =	simm.s32 @!p0 $0x108  }
0x21: {  	s3 =	sadd.s32 s3, s9;
	s6 =	sadd.s32 @!p0 $0x88, s6;
	s7 =	simm.s32 @p2 $0x1082  }
0x22: {  	[simem:s7], [sflag:s8] =	dma.local @!p0 [hbm:s6], $0xF7A  }
0x23: {  	s9 =	sor.u32 $0xD0000000, s2;
	s6 =	simm.s32 $0x108;
	_ =	swait.ge @!p0 [sflag:s8], $0x0  }
0x24: {  	s3 =	sadd.s32 $0x88, s3;
	s6 =	simm.s32 @!p1 $0x1082;
	[sflag:s4] =	ssyncset.s32 $0xFFFFF086  }
0x25: {  	[simem:s6], [sflag:s4] =	dma.local [hbm:s3], $0xF7A  }
0x26: {  	[smem:$0x3F9F] =	sst s1;
	(tag) =	ssettag s2;
	_ =	strace s9  }
0x27: {  	s1 =	sld [smem:$0x3FAF]  }
0x28: {  	s2 =	sld [smem:$0x3FB0]  }
0x29: {  	s4 =	sld [smem:$0x3FB2]  }
0x2a: {  	p0 =	seq.s32 s5, $0x0;
	s5 =	sld [smem:$0x3FB3]  }
0x2b: {  	s6 =	sld [smem:$0x3FB4]  }
0x2c: {  	s7 =	sld [smem:$0x3FB5]  }
0x2d: {  	s3 =	simm.s32 $0x108;
	s8 =	sld [smem:$0x3FB6]  }
0x2e: {  	s3 =	simm.s32 @!p0 $0x1082;
	s9 =	sld [smem:$0x3FB7]  }
0x2f: {  	lr =	sadd.s32 s0, s3;
	s0 =	sld [smem:$0x3FAE]  }
0x30: {  	s3 =	sld [smem:$0x3FB1]  }
0x31: {  	[smem:$0x3FBA] =	sst s10  }
0x32: {  	s10 =	sld [smem:$0x3FB8];
	_ =	sdelay $0x3  }
0x33: {  	p0 =	seq.s32 s10, $0x1;
	s10 =	sld [smem:$0x3FBA];
	_ =	sdelay $0x3  }
0x34: {  	[smem:$0x3FBA] =	sst s10  }
0x35: {  	s10 =	sld [smem:$0x3FB9];
	_ =	sdelay $0x3  }
0x36: {  	p1 =	seq.s32 s10, $0x1;
	s10 =	sld [smem:$0x3FBA];
	_ =	sdelay $0x3  }
0x37: {  	[smem:$0x3FBA] =	sst s10  }
0x38: {  	s10 =	sld [smem:$0x3FBB]  }
0x39: {  	_ = 	snop;
	(pc) =	sbr.ind lr, $3  }
0x3a: {  	_ = 	snop  }
0x3b: {  	_ = 	snop  }
0x3c: {  	p2 =	seq.s32 s10, $0x1;
	s10 =	sld [smem:$0x3FBA]  }
0x3d: {  	_ =	shalt  }
0x3e: {  	_ =	shalt  }
0x3f: {  	_ =	shalt  }
0x40: {  	_ =	shalt  }
0x41: {  	_ =	shalt  }
0x42: {  	_ =	shalt  }
0x43: {  	_ =	shalt  }
0x44: {  	_ =	shalt  }
0x45: {  	_ =	shalt  }
0x46: {  	_ =	shalt  }
0x47: {  	_ =	shalt  }
0x48: {  	_ =	shalt  }
0x49: {  	_ =	shalt  }
0x4a: {  	_ =	shalt  }
0x4b: {  	_ =	shalt  }
0x4c: {  	_ =	shalt  }
0x4d: {  	_ =	shalt  }
0x4e: {  	_ =	shalt  }
0x4f: {  	_ =	shalt  }
0x50: {  	_ =	shalt  }
0x51: {  	_ =	shalt  }
0x52: {  	_ =	shalt  }
0x53: {  	_ =	shalt  }
0x54: {  	_ =	shalt  }
0x55: {  	_ =	shalt  }
0x56: {  	_ =	shalt  }
0x57: {  	_ =	shalt  }
0x58: {  	_ =	shalt  }
0x59: {  	_ =	shalt  }
0x5a: {  	_ =	shalt  }
0x5b: {  	_ =	shalt  }
0x5c: {  	_ =	shalt  }
0x5d: {  	_ =	shalt  }
0x5e: {  	_ =	shalt  }
0x5f: {  	_ =	shalt  }
0x60: {  	_ =	shalt  }
0x61: {  	_ =	shalt  }
0x62: {  	_ =	shalt  }
0x63: {  	_ =	shalt  }
0x64: {  	_ =	shalt  }
0x65: {  	_ =	shalt  }
0x66: {  	_ =	shalt  }
0x67: {  	_ =	shalt  }
0x68: {  	_ =	shalt  }
0x69: {  	_ =	shalt  }
0x6a: {  	_ =	shalt  }
0x6b: {  	_ =	shalt  }
0x6c: {  	_ =	shalt  }
0x6d: {  	_ =	shalt  }
0x6e: {  	_ =	shalt  }
0x6f: {  	_ =	shalt  }
0x70: {  	_ =	shalt  }
0x71: {  	_ =	shalt  }
0x72: {  	_ =	shalt  }
0x73: {  	_ =	shalt  }
0x74: {  	_ =	shalt  }
0x75: {  	_ =	shalt  }
0x76: {  	_ =	shalt  }
0x77: {  	_ =	shalt  }
0x78: {  	_ =	shalt  }
0x79: {  	_ =	shalt  }
0x7a: {  	_ =	shalt  }
0x7b: {  	_ =	shalt  }
0x7c: {  	_ =	shalt  }
0x7d: {  	_ =	shalt  }
0x7e: {  	_ =	shalt  }
0x7f: {  	_ =	shalt  }
0x80: {  	_ =	shalt  }
0x81: {  	_ =	shalt  }
0x82: {  	_ =	shalt  }
0x83: {  	_ =	shalt  }
0x84: {  	_ =	shalt  }
0x85: {  	_ =	shalt  }
0x86: {  	_ =	shalt  }
0x87: {  	_ =	shalt  }
.Lfunc_end0:
.L_simem_size_0:
called_computation_lowered:
.L_overlay_start_0:
0x88: {  	s2 =	sld [smem:$0x3FD9]  }
0x89: {  	s3 =	sld [smem:$0x3FFE];
	_ =	sdelay $0x1  }
0x8a: {  	s1 =	srdreg.scid  }
0x8b: {  	s0 =	sand.u32 $0x1, s1  }
0x8c: {  	s17 =	sshll.u32 s0, $0xA;
	s2 =	sadd.s32 s3, s2  }
0x8d: {  	s2 =	sadd.s32 s2, s17  }
0x8e: {  	[smem:$0x3FC6] =	sst s2  }
0x8f: {  	_ = 	snop  }
0x90: {  	s2 =	sld [smem:$0x3FC8]  }
0x91: {  	s18 =	sld [smem:$0x3FD0];
	(tm) =	ssettm $0x1  }
0x92: {  	s4 =	sld [smem:$0x3FFB];
	_ =	sdelay $0x3  }
0x93: {  	_ =	strace s4  }
0x94: {  	s4 =	sld [smem:$0x3FFC];
	_ =	sdelay $0x3  }
0x95: {  	_ =	strace s4  }
0x96: {  	s4 =	sld [smem:$0x3FFD];
	_ =	sdelay $0x3  }
0x97: {  	_ =	strace s4  }
0x98: {  	_ =	strace $0x8FFFFFFF  }
0x99: {  	s19 =	sld [smem:$0x3FDB];
	_ =	sdelay $0x1  }
0x9a: {  	s5 =	simm.s32 $_scs_section_size  }
0x9b: {  	s6 =	simm.s32 $_size__tile_overlayer_lowered;
	s7 =	simm.s32 $_tile_overlayer_lowered  }
0x9c: {  	s22 =	simm.s32 $0x1BFF;
	s21 =	sshll.u32 s7, $0x1;
	s4 =	sadd.s32 s5, s19  }
0x9d: {  	s8 =	simm.s32 $0x0;
	s20 =	sshll.u32 s6, $0x1;
	s6 =	sadd.s32 s21, s4  }
0x9e: {  	[timem:s8], [sflag:s22] =	dma.local [hbm:s6], s20  }
0x9f: {  	_ =	swait.ge [sflag:s22], s20  }
0xa0: {  	s5 =	ssub.s32 $0x0, s20;
	[sflag:s22] =	ssyncset.done $0x0  }
0xa1: {  	[sflag:s22] =	ssyncadd.s32 s5;
	_ =	sdelay $0x1  }
0xa2: {  	s23 =	simm.s32 $0x1B8B  }
0xa3: {  	_ =	swait.ge [sflag:s23], $0x1  }
0xa4: {  	[sflag:s23] =	ssyncset.done $0x0  }
0xa5: {  	s25 =	simm.s32 $0x1B8E;
	s24 =	sld [smem:$0x3FFE];
	[sflag:s23] =	ssyncadd.s32 $0xFFFFFFFF  }
0xa6: {  	s26 =	simm.s32 $execute0_lowered;
	[smem:$0x3FD2] =	sst s25  }
0xa7: {  	s6 =	sshll.u32 s26, $0x1;
	_ =	strace $0x80000046;
	[dreg:$0x1] =	wrdreg $0xFFFFFFFF  }
0xa8: {  	s28 =	simm.s32 $_size_execute0_lowered;
	s4 =	sadd.s32 s4, s6;
	[dreg:$0x0] =	wrdreg $0x0  }
0xa9: {  	s6 =	sshll.u32 s28, $0x1;
	[dreg:$0x2] =	wrdreg s4  }
0xaa: {  	[dreg:$0x3] =	wrdreg s6  }
0xab: {  	[dreg:$0x4] =	wrdreg $0xC0  }
0xac: {  	_ =	task [dreg:s8], $0x5FFFF  }
0xad: {  	[dreg:$0x1] =	wrdreg $0xFFFFFFFF  }
0xae: {  	[dreg:$0x0] =	wrdreg $0x60  }
0xaf: {  	[dreg:$0x2] =	wrdreg s2  }
0xb0: {  	[dreg:$0x3] =	wrdreg s24  }
0xb1: {  	[dreg:$0x4] =	wrdreg s18  }
0xb2: {  	[dreg:$0x5] =	wrdreg $0x108000  }
0xb3: {  	[dreg:$0x6] =	wrdreg $0x9  }
0xb4: {  	_ =	task.clear_ibuf [dreg:s8], $0x7FFFF;
	_ =	strace $0x90000046  }
0xb5: {  	s29 =	simm.s32 $0x9;
	_ =	strace $0x80000048  }
0xb6: {  	_ =	swait.ge [sflag:s29], $0x1  }
0xb7: {  	[sflag:s29] =	ssyncadd.s32 $0xFFFFFFFF  }
0xb8: {  	_ =	strace $0x90000048  }
0xb9: {  	_ =	sfence  }
0xba: {  	s30 =	sld [smem:$0x0];
	_ =	sdelay $0x2  }
0xbb: {  	s31 =	sshll.u32 s1, $0xD;
	s1 =	sshrl.u32 s1, $0x2  }
0xbc: {  	s3 =	sand.u32 $0x4000, s31;
	s1 =	sadd.s32 s1, s30  }
0xbd: {  	s0 =	sor.u32 s3, s0;
	s1 =	sshll.u32 s1, $0x11  }
0xbe: {  	s0 =	sor.u32 s1, s0  }
0xbf: {  	s0 =	sadd.s32 $0x8F2B, s0  }
0xc0: {  	[sflag:s0] =	ssyncadd.remote.s32 $0x1  }
0xc1: {  	_ =	sfence.sel $0xFFFF  }
0xc2: {  	[dreg:$0x0] =	wrdreg $0xFFFFFFFF;
	(pc) =	sbr.abs _section_cstart, $3  }
0xc3: {  	[dreg:$0x1] =	wrdreg $0xFFFFFFFF  }
0xc4: {  	_ =	task.clear_ibuf [dreg:s8], $0x2FFFF;
	_ =	strace $0x9FFFFFFF  }
0xc5: {  	(tm) =	ssettm $0x7FFFFFFF  }
tec
execute0_lowered:
.L_overlay_start_1:
0x0: {  	(tag) =	ssettag $0x1  }
0x1: {  	s2 =	rddreg [dreg:$0x0]  }
0x2: {  	s5 =	rddreg [dreg:$0x1];
	s1 =	srdreg.scid  }
0x3: {  	s0 =	stileid.u32;
	s6 =	rddreg [dreg:$0x2]  }
0x4: {  	s3 =	rddreg [dreg:$0x3];
	s1 =	sand.u32 $0x1, s1;
	s4 =	sshll.u32 s0, $0x1  }
0x5: {  	s11 =	sshll.u32 s0, $0xA;
	s7 =	sor.u32 s1, s4;
	s4 =	simm.s32 $0x0  }
0x6: {  	s12 =	sadd.s32 s2, s11;
	[smem:$0x7FF] =	sst s4  }
0x7: {  	s13 =	sadd.s32 $0x3C00, s2;
	_ =	strace $0x80000047;
	[dreg:$0x6] =	wrdreg s12  }
0x8: {  	s11 =	simm.s32 $0x80;
	[dreg:$0x7] =	wrdreg s13  }
0x9: {  	s8 =	sshll.u32 s7, $0x8;
	[dreg:$0x19] =	wrdreg s11;
	s12 =	simm.s32 $0x100  }
0xa: {  	s5 =	sadd.s32 s8, s5;
	s13 =	simm.s32 $0x180;
	[dreg:$0x1a] =	wrdreg s12  }
0xb: {  	s7 =	sshll.u32 s7, $0xD;
	s5 =	sadd.s32 $0x400, s5;
	[dreg:$0x1b] =	wrdreg s13  }
0xc: {  	s25 =	sshll.u32 s0, $0xD;
	[dreg:$0x5] =	wrdreg s5;
	s5 =	sadd.s32 s6, s7  }
0xd: {  	s7 =	sadd.s32 s25, s3;
	s6 =	sadd.s32 $0x200, s5;
	s25 =	rddreg [dreg:$0x5]  }
0xe: {  	s14 =	sadd.s32 $0x400, s5;
	[dreg:$0x8] =	wrdreg s6  }
0xf: {  	s15 =	sadd.s32 $0x600, s5;
	[dreg:$0x9] =	wrdreg s14  }
0x10: {  	s16 =	sadd.s32 $0x800, s5;
	[dreg:$0xa] =	wrdreg s15  }
0x11: {  	s17 =	sadd.s32 $0xA00, s5;
	[dreg:$0xb] =	wrdreg s16  }
0x12: {  	s18 =	sadd.s32 $0xC00, s5;
	[dreg:$0xc] =	wrdreg s17  }
0x13: {  	s19 =	sadd.s32 $0xE00, s5;
	[dreg:$0xd] =	wrdreg s18  }
0x14: {  	s20 =	sadd.s32 $0x1000, s5;
	[dreg:$0xe] =	wrdreg s19  }
0x15: {  	s21 =	sadd.s32 $0x1200, s5;
	[dreg:$0xf] =	wrdreg s20  }
0x16: {  	s22 =	sadd.s32 $0x1400, s5;
	[dreg:$0x10] =	wrdreg s21  }
0x17: {  	s23 =	sadd.s32 $0x1600, s5;
	[dreg:$0x11] =	wrdreg s22  }
0x18: {  	s24 =	sadd.s32 $0x1800, s5;
	[dreg:$0x12] =	wrdreg s23  }
0x19: {  	s26 =	sadd.s32 $0x1A00, s5;
	[dreg:$0x13] =	wrdreg s24  }
0x1a: {  	p0 =	seq.s32 s0, $0xF;
	s9 =	sadd.s32 $0x1C00, s5;
	[dreg:$0x14] =	wrdreg s26  }
0x1b: {  	s8 =	sadd.s32 $0x1E000, s3;
	s10 =	sadd.s32 $0x1E00, s5;
	[dreg:$0x15] =	wrdreg s9  }
0x1c: {  	[dreg:$0x16] =	wrdreg s10;
	s6 =	sshrl.u32 @p0 s8, $0x3  }
0x1d: {  	[tilespmem:s4], [sflag:$0x4] =	stream.linear.gather [hbm4b:s25+s4], $0x800, $0x38;
	[tilespmem:$0x12740] =	vst v63  }
0x1e: {  	s14 =	simm.s32 $0x200;
	[dreg:$0x18] =	wrdreg s6  }
0x1f: {  	s15 =	simm.s32 $0x280;
	[dreg:$0x1c] =	wrdreg s14  }
0x20: {  	s16 =	simm.s32 $0x300;
	[dreg:$0x1d] =	wrdreg s15  }
0x21: {  	s17 =	simm.s32 $0x380;
	[dreg:$0x1e] =	wrdreg s16  }
0x22: {  	s18 =	simm.s32 $0x400;
	[dreg:$0x1f] =	wrdreg s17  }
0x23: {  	s19 =	simm.s32 $0x480;
	[smem:$0x7F6] =	sst s18  }
0x24: {  	s20 =	simm.s32 $0x500;
	[smem:$0x7F7] =	sst s19  }
0x25: {  	s21 =	simm.s32 $0x580;
	[smem:$0x7F8] =	sst s20  }
0x26: {  	s22 =	simm.s32 $0x600;
	[smem:$0x7F9] =	sst s21  }
0x27: {  	s23 =	simm.s32 $0x680;
	[smem:$0x7FA] =	sst s22  }
0x28: {  	s24 =	simm.s32 $0x700;
	[smem:$0x7FB] =	sst s23  }
0x29: {  	s26 =	simm.s32 $0x780;
	[smem:$0x7FC] =	sst s24  }
0x2a: {  	s6 =	sshrl.u32 @!p0 s7, $0x3;
	[smem:$0x7FD] =	sst s26  }
0x2b: {  	[dreg:$0x17] =	wrdreg s6;
	s6 =	simm.s32 $0x4  }
0x2c: {  	_ =	swait.ge [sflag:s6], $0x800  }
0x2d: {  	s8 =	simm.s32 $0x800;
	[sflag:s6] =	ssyncset.done $0x0  }
0x2e: {  	s7 =	simm.s32 $0x20;
	s11 =	rddreg [dreg:$0x7];
	[sflag:s6] =	ssyncadd.s32 $0xFFFFF800  }
0x2f: {  	[tilespmem:s8], [sflag:$0x1] =	stream.indirect.gather [hbm4b:s2+s7], $0x80, s4, s7, $0xb8;
	[tilespmem:$0x12740] =	vst v63  }
0x30: {  	s10 =	simm.s32 @p0 $0x4;
	s12 =	rddreg [dreg:$0x18];
	s2 =	simm.s32 @p0 $0x1FC4  }
0x31: {  	[spmem:s12], [sflag:s2] =	dma.local @p0 [hbm:s11], $0x280  }
0x32: {  	s11 =	sshll.u32 @!p0 s0, $0x6;
	_ =	swait.ge @p0 [sflag:s10], $0x280  }
0x33: {  	s12 =	simm.s32 @!p0 $0x4;
	s13 =	rddreg [dreg:$0x6];
	[sflag:s10] =	ssyncset.done @p0 $0x0  }
0x34: {  	s11 =	sor.u32 @!p0 $0x1C04, s11;
	s14 =	rddreg [dreg:$0x17];
	[sflag:s10] =	ssyncadd.s32 @p0 $0xFFFFFD80  }
0x35: {  	[spmem:s14], [sflag:s11] =	dma.local @!p0 [hbm:s13], $0x400  }
0x36: {  	_ =	swait.ge @!p0 [sflag:s12], $0x400  }
0x37: {  	[sflag:s12] =	ssyncset.done @!p0 $0x0  }
0x38: {  	s13 =	simm.s32 $0x1;
	[sflag:s12] =	ssyncadd.s32 @!p0 $0xFFFFFC00  }
0x39: {  	_ =	swait.ge [sflag:s13], $0x1000  }
0x3a: {  	[sflag:s13] =	ssyncset.done $0x0  }
0x3b: {  	[sflag:s13] =	ssyncadd.s32 $0xFFFFF000  }
0x3c: {  	[hbm4b:s5+s4] =	stream.linear.scatter [tilespmem:s8], [sflag:$0x3], $0x1000, $0x38;
	[tilespmem:$0x12740] =	vst v63  }
0x3d: {  	[bflag:$0x0] =	sbarrier.arrive $0xFFFF  }
0x3e: {  	s15 =	rddreg [dreg:$0x19]  }
0x3f: {  	s14 =	simm.s32 $0x1800;
	s16 =	rddreg [dreg:$0x1a]  }
0x40: {  	[tilespmem:s14], [sflag:$0x2] =	stream.indirect.gather [spmem:s3], $0x80, s15, s7, $0xb8;
	[tilespmem:$0x12740] =	vst v63  }
0x41: {  	s17 =	rddreg [dreg:$0x1b];
	s15 =	simm.s32 $0x2800  }
0x42: {  	[tilespmem:s15], [sflag:$0x2] =	stream.indirect.gather [spmem:s3], $0x80, s16, s7, $0xb8;
	[tilespmem:$0x12740] =	vst v63  }
0x43: {  	s18 =	rddreg [dreg:$0x1c];
	s16 =	simm.s32 $0x3800  }
0x44: {  	[tilespmem:s16], [sflag:$0x2] =	stream.indirect.gather [spmem:s3], $0x80, s17, s7, $0xb8;
	[tilespmem:$0x12740] =	vst v63  }
0x45: {  	s19 =	rddreg [dreg:$0x1d];
	s17 =	simm.s32 $0x4800  }
0x46: {  	[tilespmem:s17], [sflag:$0x2] =	stream.indirect.gather [spmem:s3], $0x80, s18, s7, $0xb8;
	[tilespmem:$0x12740] =	vst v63  }
0x47: {  	s20 =	rddreg [dreg:$0x1e];
	s18 =	simm.s32 $0x5800  }
0x48: {  	[tilespmem:s18], [sflag:$0x2] =	stream.indirect.gather [spmem:s3], $0x80, s19, s7, $0xb8;
	[tilespmem:$0x12740] =	vst v63  }
0x49: {  	s21 =	rddreg [dreg:$0x1f];
	s19 =	simm.s32 $0x6800  }
0x4a: {  	[tilespmem:s19], [sflag:$0x2] =	stream.indirect.gather [spmem:s3], $0x80, s20, s7, $0xb8;
	[tilespmem:$0x12740] =	vst v63  }
0x4b: {  	s22 =	sld [smem:$0x7F6];
	s20 =	simm.s32 $0x7800  }
0x4c: {  	[tilespmem:s20], [sflag:$0x2] =	stream.indirect.gather [spmem:s3], $0x80, s21, s7, $0xb8;
	[tilespmem:$0x12740] =	vst v63  }
0x4d: {  	s23 =	sld [smem:$0x7F7];
	s21 =	simm.s32 $0x8800  }
0x4e: {  	[tilespmem:s21], [sflag:$0x2] =	stream.indirect.gather [spmem:s3], $0x80, s22, s7, $0xb8;
	[tilespmem:$0x12740] =	vst v63  }
0x4f: {  	s24 =	sld [smem:$0x7F8];
	s22 =	simm.s32 $0x9800  }
0x50: {  	[tilespmem:s22], [sflag:$0x2] =	stream.indirect.gather [spmem:s3], $0x80, s23, s7, $0xb8;
	[tilespmem:$0x12740] =	vst v63  }
0x51: {  	s25 =	sld [smem:$0x7F9];
	s23 =	simm.s32 $0xA800  }
0x52: {  	[tilespmem:s23], [sflag:$0x2] =	stream.indirect.gather [spmem:s3], $0x80, s24, s7, $0xb8;
	[tilespmem:$0x12740] =	vst v63  }
0x53: {  	s26 =	sld [smem:$0x7FA];
	s24 =	simm.s32 $0xB800  }
0x54: {  	[tilespmem:s24], [sflag:$0x2] =	stream.indirect.gather [spmem:s3], $0x80, s25, s7, $0xb8;
	[tilespmem:$0x12740] =	vst v63  }
0x55: {  	s28 =	sld [smem:$0x7FB];
	s25 =	simm.s32 $0xC800  }
0x56: {  	[tilespmem:s25], [sflag:$0x2] =	stream.indirect.gather [spmem:s3], $0x80, s26, s7, $0xb8;
	[tilespmem:$0x12740] =	vst v63  }
0x57: {  	s29 =	sld [smem:$0x7FC];
	s26 =	simm.s32 $0xD800  }
0x58: {  	[tilespmem:s26], [sflag:$0x2] =	stream.indirect.gather [spmem:s3], $0x80, s28, s7, $0xb8;
	[tilespmem:$0x12740] =	vst v63  }
0x59: {  	s30 =	sld [smem:$0x7FD];
	s28 =	simm.s32 $0xE800  }
0x5a: {  	[tilespmem:s28], [sflag:$0x2] =	stream.indirect.gather [spmem:s3], $0x80, s29, s7, $0xb8;
	[tilespmem:$0x12740] =	vst v63  }
0x5b: {  	s29 =	simm.s32 $0xF800  }
0x5c: {  	[tilespmem:s29], [sflag:$0x2] =	stream.indirect.gather [spmem:s3], $0x80, s30, s7, $0xb8;
	[tilespmem:$0x12740] =	vst v63  }
0x5d: {  	s30 =	simm.s32 $0x2  }
0x5e: {  	_ =	swait.ge [sflag:s30], $0x1000  }
0x5f: {  	[sflag:s30] =	ssyncset.done $0x0  }
0x60: {  	s31 =	rddreg [dreg:$0x8];
	[sflag:s30] =	ssyncadd.s32 $0xFFFFF000  }
0x61: {  	[hbm4b:s31+s4] =	stream.linear.scatter [tilespmem:s14], [sflag:$0x3], $0x1000, $0x38;
	[tilespmem:$0x12740] =	vst v63  }
0x62: {  	_ =	swait.ge [sflag:s30], $0x1000  }
0x63: {  	[sflag:s30] =	ssyncset.done $0x0  }
0x64: {  	s31 =	rddreg [dreg:$0x9];
	[sflag:s30] =	ssyncadd.s32 $0xFFFFF000  }
0x65: {  	[hbm4b:s31+s4] =	stream.linear.scatter [tilespmem:s15], [sflag:$0x3], $0x1000, $0x38;
	[tilespmem:$0x12740] =	vst v63  }
0x66: {  	_ =	swait.ge [sflag:s30], $0x1000  }
0x67: {  	[sflag:s30] =	ssyncset.done $0x0  }
0x68: {  	s31 =	rddreg [dreg:$0xa];
	[sflag:s30] =	ssyncadd.s32 $0xFFFFF000  }
0x69: {  	[hbm4b:s31+s4] =	stream.linear.scatter [tilespmem:s16], [sflag:$0x3], $0x1000, $0x38;
	[tilespmem:$0x12740] =	vst v63  }
0x6a: {  	_ =	swait.ge [sflag:s30], $0x1000  }
0x6b: {  	[sflag:s30] =	ssyncset.done $0x0  }
0x6c: {  	s31 =	rddreg [dreg:$0xb];
	[sflag:s30] =	ssyncadd.s32 $0xFFFFF000  }
0x6d: {  	[hbm4b:s31+s4] =	stream.linear.scatter [tilespmem:s17], [sflag:$0x3], $0x1000, $0x38;
	[tilespmem:$0x12740] =	vst v63  }
0x6e: {  	_ =	swait.ge [sflag:s30], $0x1000  }
0x6f: {  	[sflag:s30] =	ssyncset.done $0x0  }
0x70: {  	s31 =	rddreg [dreg:$0xc];
	[sflag:s30] =	ssyncadd.s32 $0xFFFFF000  }
0x71: {  	[hbm4b:s31+s4] =	stream.linear.scatter [tilespmem:s18], [sflag:$0x3], $0x1000, $0x38;
	[tilespmem:$0x12740] =	vst v63  }
0x72: {  	_ =	swait.ge [sflag:s30], $0x1000  }
0x73: {  	[sflag:s30] =	ssyncset.done $0x0  }
0x74: {  	s31 =	rddreg [dreg:$0xd];
	[sflag:s30] =	ssyncadd.s32 $0xFFFFF000  }
0x75: {  	[hbm4b:s31+s4] =	stream.linear.scatter [tilespmem:s19], [sflag:$0x3], $0x1000, $0x38;
	[tilespmem:$0x12740] =	vst v63  }
0x76: {  	_ =	swait.ge [sflag:s30], $0x1000  }
0x77: {  	[sflag:s30] =	ssyncset.done $0x0  }
0x78: {  	s31 =	rddreg [dreg:$0xe];
	[sflag:s30] =	ssyncadd.s32 $0xFFFFF000  }
0x79: {  	[hbm4b:s31+s4] =	stream.linear.scatter [tilespmem:s20], [sflag:$0x3], $0x1000, $0x38;
	[tilespmem:$0x12740] =	vst v63  }
0x7a: {  	_ =	swait.ge [sflag:s30], $0x1000  }
0x7b: {  	[sflag:s30] =	ssyncset.done $0x0  }
0x7c: {  	s31 =	rddreg [dreg:$0xf];
	[sflag:s30] =	ssyncadd.s32 $0xFFFFF000  }
0x7d: {  	[hbm4b:s31+s4] =	stream.linear.scatter [tilespmem:s21], [sflag:$0x3], $0x1000, $0x38;
	[tilespmem:$0x12740] =	vst v63  }
0x7e: {  	_ =	swait.ge [sflag:s30], $0x1000  }
0x7f: {  	[sflag:s30] =	ssyncset.done $0x0  }
0x80: {  	s31 =	rddreg [dreg:$0x10];
	[sflag:s30] =	ssyncadd.s32 $0xFFFFF000  }
0x81: {  	[hbm4b:s31+s4] =	stream.linear.scatter [tilespmem:s22], [sflag:$0x3], $0x1000, $0x38;
	[tilespmem:$0x12740] =	vst v63  }
0x82: {  	_ =	swait.ge [sflag:s30], $0x1000  }
0x83: {  	[sflag:s30] =	ssyncset.done $0x0  }
0x84: {  	s31 =	rddreg [dreg:$0x11];
	[sflag:s30] =	ssyncadd.s32 $0xFFFFF000  }
0x85: {  	[hbm4b:s31+s4] =	stream.linear.scatter [tilespmem:s23], [sflag:$0x3], $0x1000, $0x38;
	[tilespmem:$0x12740] =	vst v63  }
0x86: {  	_ =	swait.ge [sflag:s30], $0x1000  }
0x87: {  	[sflag:s30] =	ssyncset.done $0x0  }
0x88: {  	s31 =	rddreg [dreg:$0x12];
	[sflag:s30] =	ssyncadd.s32 $0xFFFFF000  }
0x89: {  	[hbm4b:s31+s4] =	stream.linear.scatter [tilespmem:s24], [sflag:$0x3], $0x1000, $0x38;
	[tilespmem:$0x12740] =	vst v63  }
0x8a: {  	_ =	swait.ge [sflag:s30], $0x1000  }
0x8b: {  	[sflag:s30] =	ssyncset.done $0x0  }
0x8c: {  	s31 =	rddreg [dreg:$0x13];
	[sflag:s30] =	ssyncadd.s32 $0xFFFFF000  }
0x8d: {  	[hbm4b:s31+s4] =	stream.linear.scatter [tilespmem:s25], [sflag:$0x3], $0x1000, $0x38;
	[tilespmem:$0x12740] =	vst v63  }
0x8e: {  	_ =	swait.ge [sflag:s30], $0x1000  }
0x8f: {  	[sflag:s30] =	ssyncset.done $0x0  }
0x90: {  	s31 =	rddreg [dreg:$0x14];
	[sflag:s30] =	ssyncadd.s32 $0xFFFFF000  }
0x91: {  	[hbm4b:s31+s4] =	stream.linear.scatter [tilespmem:s26], [sflag:$0x3], $0x1000, $0x38;
	[tilespmem:$0x12740] =	vst v63  }
0x92: {  	_ =	swait.ge [sflag:s30], $0x1000  }
0x93: {  	[sflag:s30] =	ssyncset.done $0x0  }
0x94: {  	s31 =	rddreg [dreg:$0x15];
	[sflag:s30] =	ssyncadd.s32 $0xFFFFF000  }
0x95: {  	[hbm4b:s31+s4] =	stream.linear.scatter [tilespmem:s28], [sflag:$0x3], $0x1000, $0x38;
	[tilespmem:$0x12740] =	vst v63  }
0x96: {  	_ =	swait.ge [sflag:s30], $0x1000  }
0x97: {  	[sflag:s30] =	ssyncset.done $0x0  }
0x98: {  	s31 =	rddreg [dreg:$0x16];
	[sflag:s30] =	ssyncadd.s32 $0xFFFFF000  }
0x99: {  	[hbm4b:s31+s4] =	stream.linear.scatter [tilespmem:s29], [sflag:$0x3], $0x1000, $0x38;
	[tilespmem:$0x12740] =	vst v63  }
0x9a: {  	s31 =	simm.s32 $0x3  }
0x9b: {  	_ =	swait.ge [sflag:s31], $0x1000  }
0x9c: {  	[sflag:s31] =	ssyncset.done $0x0  }
0x9d: {  	[sflag:s31] =	ssyncadd.s32 $0xFFFFF000  }
0x9e: {  	_ =	swait.ge [sflag:s31], $0x1000  }
0x9f: {  	[sflag:s31] =	ssyncset.done $0x0  }
0xa0: {  	[sflag:s31] =	ssyncadd.s32 $0xFFFFF000  }
0xa1: {  	_ =	swait.ge [sflag:s31], $0x1000  }
0xa2: {  	[sflag:s31] =	ssyncset.done $0x0  }
0xa3: {  	[sflag:s31] =	ssyncadd.s32 $0xFFFFF000  }
0xa4: {  	_ =	swait.ge [sflag:s31], $0x1000  }
0xa5: {  	[sflag:s31] =	ssyncset.done $0x0  }
0xa6: {  	[sflag:s31] =	ssyncadd.s32 $0xFFFFF000  }
0xa7: {  	_ =	swait.ge [sflag:s31], $0x1000  }
0xa8: {  	[sflag:s31] =	ssyncset.done $0x0  }
0xa9: {  	[sflag:s31] =	ssyncadd.s32 $0xFFFFF000  }
0xaa: {  	_ =	swait.ge [sflag:s31], $0x1000  }
0xab: {  	[sflag:s31] =	ssyncset.done $0x0  }
0xac: {  	[sflag:s31] =	ssyncadd.s32 $0xFFFFF000  }
0xad: {  	_ =	swait.ge [sflag:s31], $0x1000  }
0xae: {  	[sflag:s31] =	ssyncset.done $0x0  }
0xaf: {  	[sflag:s31] =	ssyncadd.s32 $0xFFFFF000  }
0xb0: {  	_ =	swait.ge [sflag:s31], $0x1000  }
0xb1: {  	[sflag:s31] =	ssyncset.done $0x0  }
0xb2: {  	[sflag:s31] =	ssyncadd.s32 $0xFFFFF000  }
0xb3: {  	_ =	swait.ge [sflag:s31], $0x1000  }
0xb4: {  	[sflag:s31] =	ssyncset.done $0x0  }
0xb5: {  	[sflag:s31] =	ssyncadd.s32 $0xFFFFF000  }
0xb6: {  	_ =	swait.ge [sflag:s31], $0x1000  }
0xb7: {  	[sflag:s31] =	ssyncset.done $0x0  }
0xb8: {  	[sflag:s31] =	ssyncadd.s32 $0xFFFFF000  }
0xb9: {  	_ =	swait.ge [sflag:s31], $0x1000  }
0xba: {  	[sflag:s31] =	ssyncset.done $0x0  }
0xbb: {  	[sflag:s31] =	ssyncadd.s32 $0xFFFFF000  }
0xbc: {  	_ =	swait.ge [sflag:s31], $0x1000  }
0xbd: {  	s1 =	ssub.s32 $0x2, s1;
	[sflag:s31] =	ssyncset.done $0x0  }
0xbe: {  	s9 =	sshrl.u32 s1, $0x1;
	[sflag:s31] =	ssyncadd.s32 $0xFFFFF000  }
0xbf: {  	s0 =	ssub.s32 s1, s9;
	_ =	swait.ge [sflag:s31], $0x1000  }
0xc0: {  	s0 =	smax.u32 s0, $0x1;
	[sflag:s31] =	ssyncset.done $0x0  }
0xc1: {  	s1 =	sadd.s32 $0xFFFFFFFF, s0;
	[sflag:s31] =	ssyncadd.s32 $0xFFFFF000  }
0xc2: {  	p1 =	sne.s32 s1, $0x0;
	_ =	swait.ge [sflag:s31], $0x1000  }
.Ltmp0:
0xc3: {  	[sflag:s31] =	ssyncset.done $0x0;
	(pc) =	sbr.rel @!p1 .LBB2_2-.Ltmp0, $4  }
0xc4: {  	[sflag:s31] =	ssyncadd.s32 $0xFFFFF000  }
0xc5: {  	_ =	swait.ge [sflag:s31], $0x1000  }
0xc6: {  	[sflag:s31] =	ssyncset.done $0x0  }
0xc7: {  	[sflag:s31] =	ssyncadd.s32 $0xFFFFF000  }
.LBB2_1:
0xc8: {  	_ =	swait.ge [sflag:s31], $0x1000  }
0xc9: {  	[sflag:s31] =	ssyncset.done $0x0  }
0xca: {  	s0 =	rddreg [dreg:$0x5];
	[sflag:s31] =	ssyncadd.s32 $0xFFFFF000  }
0xcb: {  	[tilespmem:s4], [sflag:$0x4] =	stream.linear.gather [hbm4b:s0+s4], $0x800, $0x38;
	[tilespmem:$0x12740] =	vst v63  }
0xcc: {  	_ =	swait.ge [sflag:s6], $0x800  }
0xcd: {  	[sflag:s6] =	ssyncset.done $0x0  }
0xce: {  	s0 =	rddreg [dreg:$0x7];
	[sflag:s6] =	ssyncadd.s32 $0xFFFFF800  }
0xcf: {  	s9 =	rddreg [dreg:$0x0]  }
0xd0: {  	[tilespmem:s8], [sflag:$0x1] =	stream.indirect.gather [hbm4b:s9+s7], $0x80, s4, s7, $0xb8;
	[tilespmem:$0x12740] =	vst v63  }
0xd1: {  	s2 =	rddreg [dreg:$0x18];
	s9 =	simm.s32 @p0 $0x1FC4  }
0xd2: {  	[spmem:s2], [sflag:s9] =	dma.local @p0 [hbm:s0], $0x280  }
0xd3: {  	_ =	swait.ge @p0 [sflag:s10], $0x280  }
0xd4: {  	[sflag:s10] =	ssyncset.done @p0 $0x0;
	s0 =	rddreg [dreg:$0x6]  }
0xd5: {  	s2 =	rddreg [dreg:$0x17];
	[sflag:s10] =	ssyncadd.s32 @p0 $0xFFFFFD80  }
0xd6: {  	[spmem:s2], [sflag:s11] =	dma.local @!p0 [hbm:s0], $0x400  }
0xd7: {  	_ =	swait.ge @!p0 [sflag:s12], $0x400  }
0xd8: {  	[sflag:s12] =	ssyncset.done @!p0 $0x0  }
0xd9: {  	[sflag:s12] =	ssyncadd.s32 @!p0 $0xFFFFFC00  }
0xda: {  	_ =	swait.ge [sflag:s13], $0x1000  }
0xdb: {  	[sflag:s13] =	ssyncset.done $0x0  }
0xdc: {  	[sflag:s13] =	ssyncadd.s32 $0xFFFFF000  }
0xdd: {  	[hbm4b:s5+s4] =	stream.linear.scatter [tilespmem:s8], [sflag:$0x3], $0x1000, $0x38;
	[tilespmem:$0x12740] =	vst v63  }
0xde: {  	[bflag:$0x0] =	sbarrier.arrive $0xFFFF  }
0xdf: {  	s0 =	rddreg [dreg:$0x19]  }
0xe0: {  	s2 =	rddreg [dreg:$0x1b]  }
0xe1: {  	[tilespmem:s14], [sflag:$0x2] =	stream.indirect.gather [spmem:s3], $0x80, s0, s7, $0xb8;
	[tilespmem:$0x12740] =	vst v63  }
0xe2: {  	s9 =	rddreg [dreg:$0x1a]  }
0xe3: {  	[tilespmem:s15], [sflag:$0x2] =	stream.indirect.gather [spmem:s3], $0x80, s9, s7, $0xb8;
	[tilespmem:$0x12740] =	vst v63  }
0xe4: {  	s0 =	rddreg [dreg:$0x1c]  }
0xe5: {  	[tilespmem:s16], [sflag:$0x2] =	stream.indirect.gather [spmem:s3], $0x80, s2, s7, $0xb8;
	[tilespmem:$0x12740] =	vst v63  }
0xe6: {  	s9 =	rddreg [dreg:$0x1d]  }
0xe7: {  	[tilespmem:s17], [sflag:$0x2] =	stream.indirect.gather [spmem:s3], $0x80, s0, s7, $0xb8;
	[tilespmem:$0x12740] =	vst v63  }
0xe8: {  	s2 =	rddreg [dreg:$0x1e]  }
0xe9: {  	[tilespmem:s18], [sflag:$0x2] =	stream.indirect.gather [spmem:s3], $0x80, s9, s7, $0xb8;
	[tilespmem:$0x12740] =	vst v63  }
0xea: {  	s0 =	rddreg [dreg:$0x1f]  }
0xeb: {  	[tilespmem:s19], [sflag:$0x2] =	stream.indirect.gather [spmem:s3], $0x80, s2, s7, $0xb8;
	[tilespmem:$0x12740] =	vst v63  }
0xec: {  	s9 =	sld [smem:$0x7F6]  }
0xed: {  	[tilespmem:s20], [sflag:$0x2] =	stream.indirect.gather [spmem:s3], $0x80, s0, s7, $0xb8;
	[tilespmem:$0x12740] =	vst v63  }
0xee: {  	s2 =	sld [smem:$0x7F7]  }
0xef: {  	[tilespmem:s21], [sflag:$0x2] =	stream.indirect.gather [spmem:s3], $0x80, s9, s7, $0xb8;
	[tilespmem:$0x12740] =	vst v63  }
0xf0: {  	s0 =	sld [smem:$0x7F8]  }
0xf1: {  	[tilespmem:s22], [sflag:$0x2] =	stream.indirect.gather [spmem:s3], $0x80, s2, s7, $0xb8;
	[tilespmem:$0x12740] =	vst v63  }
0xf2: {  	s9 =	sld [smem:$0x7F9]  }
0xf3: {  	[tilespmem:s23], [sflag:$0x2] =	stream.indirect.gather [spmem:s3], $0x80, s0, s7, $0xb8;
	[tilespmem:$0x12740] =	vst v63  }
0xf4: {  	s2 =	sld [smem:$0x7FA]  }
0xf5: {  	[tilespmem:s24], [sflag:$0x2] =	stream.indirect.gather [spmem:s3], $0x80, s9, s7, $0xb8;
	[tilespmem:$0x12740] =	vst v63  }
0xf6: {  	s0 =	sld [smem:$0x7FB]  }
0xf7: {  	[tilespmem:s25], [sflag:$0x2] =	stream.indirect.gather [spmem:s3], $0x80, s2, s7, $0xb8;
	[tilespmem:$0x12740] =	vst v63  }
0xf8: {  	s9 =	sld [smem:$0x7FC]  }
0xf9: {  	[tilespmem:s26], [sflag:$0x2] =	stream.indirect.gather [spmem:s3], $0x80, s0, s7, $0xb8;
	[tilespmem:$0x12740] =	vst v63  }
0xfa: {  	s2 =	sld [smem:$0x7FD]  }
0xfb: {  	[tilespmem:s28], [sflag:$0x2] =	stream.indirect.gather [spmem:s3], $0x80, s9, s7, $0xb8;
	[tilespmem:$0x12740] =	vst v63  }
0xfc: {  	_ = 	snop  }
0xfd: {  	[tilespmem:s29], [sflag:$0x2] =	stream.indirect.gather [spmem:s3], $0x80, s2, s7, $0xb8;
	[tilespmem:$0x12740] =	vst v63  }
0xfe: {  	_ =	swait.ge [sflag:s30], $0x1000  }
0xff: {  	[sflag:s30] =	ssyncset.done $0x0  }
0x100: {  	s9 =	rddreg [dreg:$0x8];
	[sflag:s30] =	ssyncadd.s32 $0xFFFFF000  }
0x101: {  	[hbm4b:s9+s4] =	stream.linear.scatter [tilespmem:s14], [sflag:$0x3], $0x1000, $0x38;
	[tilespmem:$0x12740] =	vst v63  }
0x102: {  	_ =	swait.ge [sflag:s30], $0x1000  }
0x103: {  	[sflag:s30] =	ssyncset.done $0x0  }
0x104: {  	s2 =	rddreg [dreg:$0x9];
	[sflag:s30] =	ssyncadd.s32 $0xFFFFF000  }
0x105: {  	[hbm4b:s2+s4] =	stream.linear.scatter [tilespmem:s15], [sflag:$0x3], $0x1000, $0x38;
	[tilespmem:$0x12740] =	vst v63  }
0x106: {  	_ =	swait.ge [sflag:s30], $0x1000  }
0x107: {  	[sflag:s30] =	ssyncset.done $0x0  }
0x108: {  	s9 =	rddreg [dreg:$0xa];
	[sflag:s30] =	ssyncadd.s32 $0xFFFFF000  }
0x109: {  	[hbm4b:s9+s4] =	stream.linear.scatter [tilespmem:s16], [sflag:$0x3], $0x1000, $0x38;
	[tilespmem:$0x12740] =	vst v63  }
0x10a: {  	_ =	swait.ge [sflag:s30], $0x1000  }
0x10b: {  	[sflag:s30] =	ssyncset.done $0x0  }
0x10c: {  	s2 =	rddreg [dreg:$0xb];
	[sflag:s30] =	ssyncadd.s32 $0xFFFFF000  }
0x10d: {  	[hbm4b:s2+s4] =	stream.linear.scatter [tilespmem:s17], [sflag:$0x3], $0x1000, $0x38;
	[tilespmem:$0x12740] =	vst v63  }
0x10e: {  	_ =	swait.ge [sflag:s30], $0x1000  }
0x10f: {  	[sflag:s30] =	ssyncset.done $0x0  }
0x110: {  	s9 =	rddreg [dreg:$0xc];
	[sflag:s30] =	ssyncadd.s32 $0xFFFFF000  }
0x111: {  	[hbm4b:s9+s4] =	stream.linear.scatter [tilespmem:s18], [sflag:$0x3], $0x1000, $0x38;
	[tilespmem:$0x12740] =	vst v63  }
0x112: {  	_ =	swait.ge [sflag:s30], $0x1000  }
0x113: {  	[sflag:s30] =	ssyncset.done $0x0  }
0x114: {  	s2 =	rddreg [dreg:$0xd];
	[sflag:s30] =	ssyncadd.s32 $0xFFFFF000  }
0x115: {  	[hbm4b:s2+s4] =	stream.linear.scatter [tilespmem:s19], [sflag:$0x3], $0x1000, $0x38;
	[tilespmem:$0x12740] =	vst v63  }
0x116: {  	_ =	swait.ge [sflag:s30], $0x1000  }
0x117: {  	[sflag:s30] =	ssyncset.done $0x0  }
0x118: {  	s9 =	rddreg [dreg:$0xe];
	[sflag:s30] =	ssyncadd.s32 $0xFFFFF000  }
0x119: {  	[hbm4b:s9+s4] =	stream.linear.scatter [tilespmem:s20], [sflag:$0x3], $0x1000, $0x38;
	[tilespmem:$0x12740] =	vst v63  }
0x11a: {  	_ =	swait.ge [sflag:s30], $0x1000  }
0x11b: {  	[sflag:s30] =	ssyncset.done $0x0  }
0x11c: {  	s2 =	rddreg [dreg:$0xf];
	[sflag:s30] =	ssyncadd.s32 $0xFFFFF000  }
0x11d: {  	[hbm4b:s2+s4] =	stream.linear.scatter [tilespmem:s21], [sflag:$0x3], $0x1000, $0x38;
	[tilespmem:$0x12740] =	vst v63  }
0x11e: {  	_ =	swait.ge [sflag:s30], $0x1000  }
0x11f: {  	[sflag:s30] =	ssyncset.done $0x0  }
0x120: {  	s9 =	rddreg [dreg:$0x10];
	[sflag:s30] =	ssyncadd.s32 $0xFFFFF000  }
0x121: {  	[hbm4b:s9+s4] =	stream.linear.scatter [tilespmem:s22], [sflag:$0x3], $0x1000, $0x38;
	[tilespmem:$0x12740] =	vst v63  }
0x122: {  	_ =	swait.ge [sflag:s30], $0x1000  }
0x123: {  	[sflag:s30] =	ssyncset.done $0x0  }
0x124: {  	s2 =	rddreg [dreg:$0x11];
	[sflag:s30] =	ssyncadd.s32 $0xFFFFF000  }
0x125: {  	[hbm4b:s2+s4] =	stream.linear.scatter [tilespmem:s23], [sflag:$0x3], $0x1000, $0x38;
	[tilespmem:$0x12740] =	vst v63  }
0x126: {  	_ =	swait.ge [sflag:s30], $0x1000  }
0x127: {  	[sflag:s30] =	ssyncset.done $0x0  }
0x128: {  	s9 =	rddreg [dreg:$0x12];
	[sflag:s30] =	ssyncadd.s32 $0xFFFFF000  }
0x129: {  	[hbm4b:s9+s4] =	stream.linear.scatter [tilespmem:s24], [sflag:$0x3], $0x1000, $0x38;
	[tilespmem:$0x12740] =	vst v63  }
0x12a: {  	_ =	swait.ge [sflag:s30], $0x1000  }
0x12b: {  	[sflag:s30] =	ssyncset.done $0x0  }
0x12c: {  	s2 =	rddreg [dreg:$0x13];
	[sflag:s30] =	ssyncadd.s32 $0xFFFFF000  }
0x12d: {  	[hbm4b:s2+s4] =	stream.linear.scatter [tilespmem:s25], [sflag:$0x3], $0x1000, $0x38;
	[tilespmem:$0x12740] =	vst v63  }
0x12e: {  	_ =	swait.ge [sflag:s30], $0x1000  }
0x12f: {  	[sflag:s30] =	ssyncset.done $0x0  }
0x130: {  	s9 =	rddreg [dreg:$0x14];
	[sflag:s30] =	ssyncadd.s32 $0xFFFFF000  }
0x131: {  	[hbm4b:s9+s4] =	stream.linear.scatter [tilespmem:s26], [sflag:$0x3], $0x1000, $0x38;
	[tilespmem:$0x12740] =	vst v63  }
0x132: {  	_ =	swait.ge [sflag:s30], $0x1000  }
0x133: {  	[sflag:s30] =	ssyncset.done $0x0  }
0x134: {  	s2 =	rddreg [dreg:$0x15];
	[sflag:s30] =	ssyncadd.s32 $0xFFFFF000  }
0x135: {  	[hbm4b:s2+s4] =	stream.linear.scatter [tilespmem:s28], [sflag:$0x3], $0x1000, $0x38;
	[tilespmem:$0x12740] =	vst v63  }
0x136: {  	_ =	swait.ge [sflag:s30], $0x1000  }
0x137: {  	[sflag:s30] =	ssyncset.done $0x0  }
0x138: {  	s9 =	rddreg [dreg:$0x16];
	[sflag:s30] =	ssyncadd.s32 $0xFFFFF000  }
0x139: {  	[hbm4b:s9+s4] =	stream.linear.scatter [tilespmem:s29], [sflag:$0x3], $0x1000, $0x38;
	[tilespmem:$0x12740] =	vst v63  }
0x13a: {  	_ =	swait.ge [sflag:s31], $0x1000  }
0x13b: {  	[sflag:s31] =	ssyncset.done $0x0  }
0x13c: {  	[sflag:s31] =	ssyncadd.s32 $0xFFFFF000  }
0x13d: {  	_ =	swait.ge [sflag:s31], $0x1000  }
0x13e: {  	[sflag:s31] =	ssyncset.done $0x0  }
0x13f: {  	[sflag:s31] =	ssyncadd.s32 $0xFFFFF000  }
0x140: {  	_ =	swait.ge [sflag:s31], $0x1000  }
0x141: {  	[sflag:s31] =	ssyncset.done $0x0  }
0x142: {  	[sflag:s31] =	ssyncadd.s32 $0xFFFFF000  }
0x143: {  	_ =	swait.ge [sflag:s31], $0x1000  }
0x144: {  	[sflag:s31] =	ssyncset.done $0x0  }
0x145: {  	[sflag:s31] =	ssyncadd.s32 $0xFFFFF000  }
0x146: {  	_ =	swait.ge [sflag:s31], $0x1000  }
0x147: {  	[sflag:s31] =	ssyncset.done $0x0  }
0x148: {  	[sflag:s31] =	ssyncadd.s32 $0xFFFFF000  }
0x149: {  	_ =	swait.ge [sflag:s31], $0x1000  }
0x14a: {  	[sflag:s31] =	ssyncset.done $0x0  }
0x14b: {  	[sflag:s31] =	ssyncadd.s32 $0xFFFFF000  }
0x14c: {  	_ =	swait.ge [sflag:s31], $0x1000  }
0x14d: {  	[sflag:s31] =	ssyncset.done $0x0  }
0x14e: {  	[sflag:s31] =	ssyncadd.s32 $0xFFFFF000  }
0x14f: {  	_ =	swait.ge [sflag:s31], $0x1000  }
0x150: {  	[sflag:s31] =	ssyncset.done $0x0  }
0x151: {  	[sflag:s31] =	ssyncadd.s32 $0xFFFFF000  }
0x152: {  	_ =	swait.ge [sflag:s31], $0x1000  }
0x153: {  	[sflag:s31] =	ssyncset.done $0x0  }
0x154: {  	[sflag:s31] =	ssyncadd.s32 $0xFFFFF000  }
0x155: {  	_ =	swait.ge [sflag:s31], $0x1000  }
0x156: {  	[sflag:s31] =	ssyncset.done $0x0  }
0x157: {  	[sflag:s31] =	ssyncadd.s32 $0xFFFFF000  }
0x158: {  	_ =	swait.ge [sflag:s31], $0x1000  }
0x159: {  	[sflag:s31] =	ssyncset.done $0x0  }
0x15a: {  	[sflag:s31] =	ssyncadd.s32 $0xFFFFF000  }
0x15b: {  	_ =	swait.ge [sflag:s31], $0x1000  }
0x15c: {  	[sflag:s31] =	ssyncset.done $0x0  }
0x15d: {  	[sflag:s31] =	ssyncadd.s32 $0xFFFFF000  }
0x15e: {  	_ =	swait.ge [sflag:s31], $0x1000  }
0x15f: {  	[sflag:s31] =	ssyncset.done $0x0  }
0x160: {  	s1 =	sadd.s32 $0xFFFFFFFF, s1;
	[sflag:s31] =	ssyncadd.s32 $0xFFFFF000  }
0x161: {  	p1 =	sne.s32 s1, $0x0;
	_ =	swait.ge [sflag:s31], $0x1000  }
.Ltmp1:
0x162: {  	[sflag:s31] =	ssyncset.done $0x0;
	(pc) =	sbr.rel @p1 .LBB2_1-.Ltmp1, $4  }
0x163: {  	[sflag:s31] =	ssyncadd.s32 $0xFFFFF000  }
0x164: {  	_ =	swait.ge [sflag:s31], $0x1000  }
0x165: {  	[sflag:s31] =	ssyncset.done $0x0  }
0x166: {  	[sflag:s31] =	ssyncadd.s32 $0xFFFFF000  }
.LBB2_2:
0x167: {  	_ =	swait.ge [sflag:s31], $0x1000  }
0x168: {  	[sflag:s31] =	ssyncset.done $0x0  }
0x169: {  	[sflag:s31] =	ssyncadd.s32 $0xFFFFF000  }
0x16a: {  	_ =	sfence.sel $0x180000  }
0x16b: {  	[bflag:$0x0] =	sbarrier.arrive $0xFFFF  }
0x16c: {  	_ =	strace $0x90000047  }
0x16d: {  	s0 =	stileid.u32;
	[bflag:$0x2] =	sbarrier.arrive $0xFFFF  }
0x16e: {  	p0 =	sne.s32 s0, $0x0;
	s0 =	rddreg [dreg:$0x4]  }
0x16f: {  	s0 =	sadd.s32 @!p0 $0x100000, s0  }
0x170: {  	[sflag:s0] =	ssyncadd.tile.s32 @!p0 $0x1;
	_ =	shalt  }
.Lfunc_end2:
_tile_overlayer_lowered:
.L_overlay_start_2:
0x171: {  	(tag) =	ssettag $0x2  }
0x172: {  	s0 =	rddreg [dreg:$0x0];
	s2 =	stileid.u32  }
0x173: {  	s1 =	rddreg [dreg:$0x1];
	p0 =	sne.s32 s2, $0x0  }
0x174: {  	s3 =	rddreg [dreg:$0x2];
	[bflag:$0x3] =	sbarrier.arrive $0xFFFF;
	s2 =	simm.s32 @!p0 $0x1C04  }
0x175: {  	[timem:s3], [sflag:s2] =	dma.local @!p0 [hbm:s0], s1  }
0x176: {  	s0 =	simm.s32 @!p0 $0x4  }
0x177: {  	_ =	swait.ge @!p0 [sflag:s0], s1  }
0x178: {  	s1 =	ssub.s32 @!p0 $0x0, s1;
	[sflag:s0] =	ssyncset.done @!p0 $0x0  }
0x179: {  	[sflag:s0] =	ssyncadd.s32 @!p0 s1  }
0x17a: {  	[bflag:$0x3] =	sbarrier.arrive $0xFFFF  }
0x17b: {  	_ =	shalt  }

</sc_bundles>
